<compile_context>
chip_gen: v7x
topology: tpu7x:2x2x1
jax: 0.10.2.dev20260603
libtpu: 0.0.44.dev20260713+nightly
codegen_flags: <defaults>
</compile_context>

<pallas_src>
import functools

import jax
import jax.numpy as jnp
from jax import lax
from jax.experimental import pallas as pl
from jax.experimental.pallas import tpu as pltpu
from jax.experimental.pallas import tpu_sc as plsc

_N = 100000
_E = 1600000
_NPAD = 100096
_RPT = _NPAD // 16
_HRPT = _RPT // 2
_R = 12544
_EP = _R * 128
_G = 56
_F = 8
_CHK = 391
_NCHK = 16

_mesh = plsc.VectorSubcoreMesh(core_axis_name="c", subcore_axis_name="s")
_params = pltpu.CompilerParams(use_tc_tiling_on_sc=False)



@functools.partial(
    pl.kernel,
    mesh=_mesh,
    compiler_params=_params,
    out_type=jax.ShapeDtypeStruct((2 * _NPAD,), jnp.float32),
    scratch_types=[
        pltpu.VMEM((_G, 128), jnp.int32),
        pltpu.VMEM((128,), jnp.float32),
        pltpu.VMEM((_HRPT,), jnp.float32),
        pltpu.VMEM_SHARED((_NPAD,), jnp.float32),
    ],
)
def _sc_degree(dst_hbm, zrow_hbm, out_hbm, dst_v, ones_v, vbuf, acc):
    c = lax.axis_index("c")
    s = lax.axis_index("s")
    pltpu.sync_copy(zrow_hbm, vbuf)
    for k in range(2):
        pltpu.sync_copy(vbuf, acc.at[pl.ds(s * _RPT + k * _HRPT, _HRPT)])
    for i in range(8):
        ones_v[pl.ds(16 * i, 16)] = jnp.ones((16,), jnp.float32)
    plsc.subcore_barrier()
    base = c * (_R // 2) + s * 392
    def group(g, carry):
        row0 = base + g * _G
        pltpu.sync_copy(dst_hbm.at[pl.ds(row0, _G)], dst_v)
        def step(j, carry2):
            pltpu.sync_copy(ones_v, acc.at[dst_v.at[j]], add=True)
            return carry2
        return lax.fori_loop(0, _G, step, carry)
    lax.fori_loop(0, 7, group, 0)
    plsc.subcore_barrier()
    for k in range(2):
        off = s * _RPT + k * _HRPT
        pltpu.sync_copy(acc.at[pl.ds(off, _HRPT)], vbuf)
        pltpu.sync_copy(vbuf, out_hbm.at[pl.ds(c * _NPAD + off, _HRPT)])


def _zero_acc(zrow_hbm, vbuf, acc, s):
    pltpu.sync_copy(zrow_hbm, vbuf)
    def zstep(k, carry):
        pltpu.sync_copy(vbuf, acc.at[pl.ds(s * _RPT + k * _CHK, _CHK)])
        return carry
    lax.fori_loop(0, _NCHK, zstep, 0)


def _drain_acc(acc, vbuf, out_hbm, oidx, s):
    def dstep(k, carry):
        off = s * _RPT + k * _CHK
        pltpu.sync_copy(acc.at[pl.ds(off, _CHK)], vbuf)
        pltpu.sync_copy(vbuf, out_hbm.at[oidx, pl.ds(off, _CHK)])
        return carry
    lax.fori_loop(0, _NCHK, dstep, 0)


def _agg_group(u_hbm, acc, src_v, dst_v, rows_a, rows_b, sem_a, sem_b):
    pltpu.async_copy(u_hbm.at[src_v.at[0]], rows_a, sem_a)
    def pair(i, carry):
        j0 = 2 * i
        pltpu.async_copy(u_hbm.at[src_v.at[j0 + 1]], rows_b, sem_b)
        pltpu.make_async_copy(u_hbm.at[src_v.at[j0]], rows_a, sem_a).wait()
        pltpu.sync_copy(rows_a, acc.at[dst_v.at[j0]], add=True)
        jn = jnp.minimum(j0 + 2, _G - 1)
        pltpu.async_copy(u_hbm.at[src_v.at[jn]], rows_a, sem_a)
        pltpu.make_async_copy(u_hbm.at[src_v.at[j0 + 1]], rows_b, sem_b).wait()
        pltpu.sync_copy(rows_b, acc.at[dst_v.at[j0 + 1]], add=True)
        return carry
    lax.fori_loop(0, _G // 2, pair, 0)
    pltpu.make_async_copy(u_hbm.at[src_v.at[_G - 1]], rows_a, sem_a).wait()


def _make_sc_agg(n_out, n_passes, n_groups, src3d, f):
    @functools.partial(
        pl.kernel,
        mesh=_mesh,
        compiler_params=_params,
        out_type=jax.ShapeDtypeStruct((n_out, _NPAD, f), jnp.float32),
        scratch_types=[
            pltpu.VMEM((_G, 128), jnp.int32),
            pltpu.VMEM((_G, 128), jnp.int32),
            pltpu.VMEM((128, f), jnp.float32),
            pltpu.VMEM((128, f), jnp.float32),
            pltpu.VMEM((_CHK, f), jnp.float32),
            pltpu.VMEM_SHARED((_NPAD, f), jnp.float32),
            pltpu.SemaphoreType.DMA,
            pltpu.SemaphoreType.DMA,
        ],
    )
    def agg(src_hbm, dst_hbm, u_hbm, z_hbm, out_hbm,
            src_v, dst_v, rows_a, rows_b, vbuf, acc, sem_a, sem_b):
        c = lax.axis_index("c")
        s = lax.axis_index("s")
        for p in range(n_passes):
            _zero_acc(z_hbm, vbuf, acc, s)
            plsc.subcore_barrier()
            if src3d:
                gidx = n_passes * c + p
                base = s * (n_groups * _G)
            else:
                gidx = c
                base = c * (_R // 2) + s * (n_groups * _G)
            def group(g, carry):
                row0 = base + g * _G
                if src3d:
                    pltpu.sync_copy(src_hbm.at[gidx, pl.ds(row0, _G)], src_v)
                else:
                    pltpu.sync_copy(src_hbm.at[pl.ds(row0, _G)], src_v)
                pltpu.sync_copy(dst_hbm.at[pl.ds(row0, _G)], dst_v)
                _agg_group(u_hbm, acc, src_v, dst_v, rows_a, rows_b, sem_a, sem_b)
                return carry
            lax.fori_loop(0, n_groups, group, 0)
            plsc.subcore_barrier()
            _drain_acc(acc, vbuf, out_hbm, gidx, s)
            if p + 1 < n_passes:
                plsc.subcore_barrier()
    return agg


_sc_agg1 = _make_sc_agg(2, 1, 7, False, _F)
_sc_agg2 = _make_sc_agg(2, 1, 14, True, 16)



_BR = 1000
_GRID = _N // _BR


def _tc_pre_body(d0, d1, x, dinv_o, u1_o):
    deg = d0[...] + d1[...] + 1.0
    dv = lax.rsqrt(deg)
    dinv_o[...] = dv
    u = dv * x[...]
    u1_o[...] = jnp.concatenate([u, jnp.zeros((_BR, 5), jnp.float32)], axis=1)


def _tc_pre(d0, d1, x):
    return pl.pallas_call(
        _tc_pre_body,
        grid=(_GRID,),
        in_specs=[
            pl.BlockSpec((_BR, 1), lambda i: (i, 0)),
            pl.BlockSpec((_BR, 1), lambda i: (i, 0)),
            pl.BlockSpec((_BR, 3), lambda i: (i, 0)),
        ],
        out_specs=[
            pl.BlockSpec((_BR, 1), lambda i: (i, 0)),
            pl.BlockSpec((_BR, 8), lambda i: (i, 0)),
        ],
        out_shape=[
            jax.ShapeDtypeStruct((_N, 1), jnp.float32),
            jax.ShapeDtypeStruct((_N, 8), jnp.float32),
        ],
    )(d0, d1, x)


def _tc_mid_body(a0, a1, u1, dinv, W1, b1, W2, u2_o):
    s1 = a0[...] + a1[...] + u1[...]
    sn = dinv[...] * s1
    h1 = jnp.maximum(
        jnp.dot(sn[:, :3], W1[...], preferred_element_type=jnp.float32, precision=lax.Precision.HIGHEST) + b1[...],
        0.0)
    t = jnp.dot(h1, W2[...], preferred_element_type=jnp.float32, precision=lax.Precision.HIGHEST)
    u2 = dinv[...] * t
    for g in range(2):
        u2_o[g] = u2[:, 16 * g:16 * g + 16]


def _tc_mid(a0, a1, u1, dinv, W1, b1, W2):
    return pl.pallas_call(
        _tc_mid_body,
        grid=(_GRID,),
        in_specs=[
            pl.BlockSpec((_BR, 8), lambda i: (i, 0)),
            pl.BlockSpec((_BR, 8), lambda i: (i, 0)),
            pl.BlockSpec((_BR, 8), lambda i: (i, 0)),
            pl.BlockSpec((_BR, 1), lambda i: (i, 0)),
            pl.BlockSpec((3, 64), lambda i: (0, 0)),
            pl.BlockSpec((64,), lambda i: (0,)),
            pl.BlockSpec((64, 32), lambda i: (0, 0)),
        ],
        out_specs=pl.BlockSpec((2, _BR, 16), lambda i: (0, i, 0)),
        out_shape=jax.ShapeDtypeStruct((2, _N, 16), jnp.float32),
    )(a0, a1, u1, dinv, W1, b1, W2)


def _tc_head_body(a2, u2, dinv, b2, Wh1, bh1, Wh2, bh2, p_o):
    s2 = a2[...] + u2[...]
    emb = jnp.concatenate([s2[g] for g in range(2)], axis=1)
    emb = dinv[...] * emb + b2[...]
    z = jnp.maximum(
        jnp.dot(emb, Wh1[...], preferred_element_type=jnp.float32, precision=lax.Precision.HIGHEST) + bh1[...],
        0.0)
    p_o[...] = jnp.dot(z, Wh2[...], preferred_element_type=jnp.float32, precision=lax.Precision.HIGHEST) + bh2[...]


def _tc_head(a2, u2, dinv, b2, Wh1, bh1, Wh2, bh2):
    return pl.pallas_call(
        _tc_head_body,
        grid=(_GRID,),
        in_specs=[
            pl.BlockSpec((2, _BR, 16), lambda i: (0, i, 0)),
            pl.BlockSpec((2, _BR, 16), lambda i: (0, i, 0)),
            pl.BlockSpec((_BR, 1), lambda i: (i, 0)),
            pl.BlockSpec((32,), lambda i: (0,)),
            pl.BlockSpec((32, 32), lambda i: (0, 0)),
            pl.BlockSpec((32,), lambda i: (0,)),
            pl.BlockSpec((32, 1), lambda i: (0, 0)),
            pl.BlockSpec((1,), lambda i: (0,)),
        ],
        out_specs=pl.BlockSpec((_BR, 1), lambda i: (i, 0)),
        out_shape=jax.ShapeDtypeStruct((_N, 1), jnp.float32),
    )(a2, u2, dinv, b2, Wh1, bh1, Wh2, bh2)



def kernel(x, edge_index, W1, b1, W2, b2, Wh1, bh1, Wh2, bh2):
    ei = edge_index.astype(jnp.int32)
    padn = _EP - _E
    src_p = jnp.concatenate([ei[0], jnp.zeros((padn,), jnp.int32)])
    dst_p = jnp.concatenate([ei[1], jnp.full((padn,), _N, jnp.int32)])
    src_r = src_p.reshape(_R, 128)
    dst_r = dst_p.reshape(_R, 128)
    src2_r = jnp.stack([src_r + g * _N for g in range(2)])
    z1 = jnp.zeros((_HRPT,), jnp.float32)
    z8 = jnp.zeros((_CHK, _F), jnp.float32)
    z16 = jnp.zeros((_CHK, 16), jnp.float32)

    degs = _sc_degree(dst_r, z1).reshape(2, _NPAD)
    d0 = degs[0, :_N].reshape(_N, 1)
    d1 = degs[1, :_N].reshape(_N, 1)
    dinv, u1 = _tc_pre(d0, d1, x)

    acc1 = _sc_agg1(src_r, dst_r, u1, z8)
    u2 = _tc_mid(acc1[0, :_N], acc1[1, :_N], u1, dinv, W1, b1, W2)

    acc2 = _sc_agg2(src2_r, dst_r, u2.reshape(2 * _N, 16), z16)
    p = _tc_head(acc2[:, :_N, :], u2, dinv, b2, Wh1, bh1, Wh2, bh2)
    return p.reshape(_N)

# --- scband reference (transcript-rebuilt; emitter-appended) ---
"""Pipeline reference for scband-gnncongestion-regressor-18674517803283 (READ-ONLY COPY).

The authoritative reference and input builder live on the scoring server;
editing this copy changes nothing except your own understanding.
"""

import jax, jax.numpy as jnp
import numpy as np

N_NODES = 100000
N_EDGES = 1600000
IN_FEAT = 3
HIDDEN = 64
EMBED = 32


def setup_inputs(seed: int = 0) -> dict:
    key = jax.random.key(seed)
    ks = jax.random.split(key, 12)
    x = jax.random.normal(ks[0], (N_NODES, IN_FEAT), dtype=jnp.float32)
    edge_index = jax.random.randint(ks[1], (2, N_EDGES), 0, N_NODES, dtype=jnp.int64)
    # GCN layer 1: in_feat -> hidden
    W1 = jax.random.normal(ks[2], (IN_FEAT, HIDDEN), dtype=jnp.float32) * (1.0 / np.sqrt(IN_FEAT))
    b1 = jnp.zeros((HIDDEN,), dtype=jnp.float32)
    # GCN layer 2: hidden -> embed
    W2 = jax.random.normal(ks[3], (HIDDEN, EMBED), dtype=jnp.float32) * (1.0 / np.sqrt(HIDDEN))
    b2 = jnp.zeros((EMBED,), dtype=jnp.float32)
    # head: Linear(embed, embed) -> ReLU -> Linear(embed, 1)
    Wh1 = jax.random.normal(ks[4], (EMBED, EMBED), dtype=jnp.float32) * (1.0 / np.sqrt(EMBED))
    bh1 = jnp.zeros((EMBED,), dtype=jnp.float32)
    Wh2 = jax.random.normal(ks[5], (EMBED, 1), dtype=jnp.float32) * (1.0 / np.sqrt(EMBED))
    bh2 = jnp.zeros((1,), dtype=jnp.float32)
    return {"x": x, "edge_index": edge_index, "W1": W1, "b1": b1, "W2": W2, "b2": b2,
            "Wh1": Wh1, "bh1": bh1, "Wh2": Wh2, "bh2": bh2}


def _gcn_conv(x, edge_index, W, b):
    # Faithful GCNConv: add self-loops, symmetric degree normalization, scatter-add aggregate
    N = x.shape[0]
    loop = jnp.arange(N, dtype=edge_index.dtype)
    src = jnp.concatenate([edge_index[0], loop])
    dst = jnp.concatenate([edge_index[1], loop])
    deg = jnp.zeros((N,), dtype=jnp.float32).at[dst].add(1.0)
    dinv = jnp.where(deg > 0, jax.lax.rsqrt(deg), 0.0)
    h = x @ W
    norm = dinv[src] * dinv[dst]
    msg = h[src] * norm[:, None]
    out = jax.ops.segment_sum(msg, dst, num_segments=N)
    return out + b


def reference(x, edge_index, W1, b1, W2, b2, Wh1, bh1, Wh2, bh2):
    # encoder: GCNConv -> ReLU -> GCNConv
    h = _gcn_conv(x, edge_index, W1, b1)
    h = jax.nn.relu(h)
    emb = _gcn_conv(h, edge_index, W2, b2)
    # head: Linear -> ReLU -> Linear, squeeze(-1)
    z = jax.nn.relu(emb @ Wh1 + bh1)
    preds = (z @ Wh2 + bh2).squeeze(-1)
    return preds

if __name__ == "__main__":
    import jax
    _d = setup_inputs()
    print(jax.jit(kernel)(*tuple(_d.values())))

</pallas_src>

<mosaic_0001>
#map = affine_map<(d0, d1) -> (0, 0)>
#map1 = affine_map<(d0, d1) -> (0, 0, 0)>
module attributes {stable_mosaic.version = 14 : i64} {
  func.func @agg(%arg0: i32, %arg1: i32, %arg2: memref<12544x128xi32, #tpu.memory_space<hbm>>, %arg3: memref<12544x128xi32, #tpu.memory_space<hbm>>, %arg4: memref<100000x8xf32, #tpu.memory_space<hbm>>, %arg5: memref<391x8xf32, #tpu.memory_space<hbm>>, %arg6: memref<2x100096x8xf32, #tpu.memory_space<hbm>>, %arg7: memref<56x128xi32, #tpu.memory_space<vmem>>, %arg8: memref<56x128xi32, #tpu.memory_space<vmem>>, %arg9: memref<128x8xf32, #tpu.memory_space<vmem>>, %arg10: memref<128x8xf32, #tpu.memory_space<vmem>>, %arg11: memref<391x8xf32, #tpu.memory_space<vmem>>, %arg12: memref<100096x8xf32, #tpu.memory_space<vmem_shared>>, %arg13: memref<!tpu.dma_semaphore, #tpu.memory_space<semaphore_mem>>, %arg14: memref<!tpu.dma_semaphore, #tpu.memory_space<semaphore_mem>>) attributes {dimension_semantics = [#tpu.dimension_semantics<core_parallel>, #tpu.dimension_semantics<subcore_parallel>], iteration_bounds = array<i64: 2, 16>, scalar_prefetch = 0 : i64, scratch_operands = 8 : i64, tpu.core_type = #tpu.core_type<sc_vector_subcore>, window_params = [{transform_indices = #map}, {transform_indices = #map}, {transform_indices = #map}, {transform_indices = #map}, {transform_indices = #map1}]} {
    "tpu.region"() ({
      %run_scoped3A = tpu.sem_alloc : memref<!tpu.dma_semaphore, #tpu.memory_space<semaphore_mem>>
      tpu.enqueue_dma source(%arg5 : memref<391x8xf32, #tpu.memory_space<hbm>>) target(%arg11 : memref<391x8xf32, #tpu.memory_space<vmem>>) target_semaphore(%run_scoped3A : memref<!tpu.dma_semaphore, #tpu.memory_space<semaphore_mem>>)
      tpu.wait_dma2 semaphore(%run_scoped3A : memref<!tpu.dma_semaphore, #tpu.memory_space<semaphore_mem>>) src(%arg5 : memref<391x8xf32, #tpu.memory_space<hbm>>) dst(%arg11 : memref<391x8xf32, #tpu.memory_space<vmem>>)
      tpu.yield
    }) : () -> ()
    %scan3A = arith.constant 0 : i32
    %scan3A_0 = arith.constant 0 : i32
    %scan3A_1 = arith.constant 16 : i32
    %scan3A_2 = arith.addi %scan3A_0, %scan3A_1 : i32
    %scan3A_3 = arith.constant 1 : i32
    scf.for %scan3A_21 = %scan3A_0 to %scan3A_2 step %scan3A_3  : i32 {
      %mul3A_22 = arith.constant 6256 : i32
      %mul3A_23 = arith.muli %arg1, %mul3A_22 : i32
      %mul3A_24 = arith.constant 391 : i32
      %mul3A_25 = arith.muli %scan3A_21, %mul3A_24 : i32
      %add3A_26 = arith.addi %mul3A_23, %mul3A_25 : i32
      "tpu.region"() ({
        %run_scoped3A = tpu.sem_alloc : memref<!tpu.dma_semaphore, #tpu.memory_space<semaphore_mem>>
        %dma_start3A = arith.constant 0 : i32
        %dma_start3A_27 = tpu.memref_slice %arg12[%add3A_26, %dma_start3A] : memref<100096x8xf32, #tpu.memory_space<vmem_shared>> -> memref<391x8xf32, #tpu.memory_space<vmem_shared>>
        %dma_start3A_28 = arith.constant 0 : i32
        %dma_start3A_29 = tpu.memref_slice %arg12[%add3A_26, %dma_start3A_28] : memref<100096x8xf32, #tpu.memory_space<vmem_shared>> -> memref<391x8xf32, #tpu.memory_space<vmem_shared>>
        tpu.enqueue_dma source(%arg11 : memref<391x8xf32, #tpu.memory_space<vmem>>) target(%dma_start3A_29 : memref<391x8xf32, #tpu.memory_space<vmem_shared>>) target_semaphore(%run_scoped3A : memref<!tpu.dma_semaphore, #tpu.memory_space<semaphore_mem>>)
        %dma_wait3A = arith.constant 0 : i32
        %dma_wait3A_30 = tpu.memref_slice %arg12[%add3A_26, %dma_wait3A] : memref<100096x8xf32, #tpu.memory_space<vmem_shared>> -> memref<391x8xf32, #tpu.memory_space<vmem_shared>>
        %dma_wait3A_31 = arith.constant 0 : i32
        %dma_wait3A_32 = tpu.memref_slice %arg12[%add3A_26, %dma_wait3A_31] : memref<100096x8xf32, #tpu.memory_space<vmem_shared>> -> memref<391x8xf32, #tpu.memory_space<vmem_shared>>
        tpu.wait_dma2 semaphore(%run_scoped3A : memref<!tpu.dma_semaphore, #tpu.memory_space<semaphore_mem>>) src(%arg11 : memref<391x8xf32, #tpu.memory_space<vmem>>) dst(%dma_wait3A_32 : memref<391x8xf32, #tpu.memory_space<vmem_shared>>)
        tpu.yield
      }) : () -> ()
    }
    %scan3A_4 = arith.constant 16 : i32
    %barrier3A = arith.constant 0 : index
    tpu.barrier barrier_id(%barrier3A)
    %mul3A = arith.constant 6272 : i32
    %mul3A_5 = arith.muli %arg0, %mul3A : i32
    %mul3A_6 = arith.constant 392 : i32
    %mul3A_7 = arith.muli %arg1, %mul3A_6 : i32
    %add3A = arith.addi %mul3A_5, %mul3A_7 : i32
    %scan3A_8 = arith.constant 0 : i32
    %scan3A_9 = arith.constant 0 : i32
    %scan3A_10 = arith.constant 7 : i32
    %scan3A_11 = arith.addi %scan3A_9, %scan3A_10 : i32
    %scan3A_12 = arith.constant 1 : i32
    scf.for %scan3A_21 = %scan3A_9 to %scan3A_11 step %scan3A_12  : i32 {
      %mul3A_22 = arith.constant 56 : i32
      %mul3A_23 = arith.muli %scan3A_21, %mul3A_22 : i32
      %add3A_24 = arith.addi %add3A, %mul3A_23 : i32
      "tpu.region"() ({
        %run_scoped3A = tpu.sem_alloc : memref<!tpu.dma_semaphore, #tpu.memory_space<semaphore_mem>>
        %dma_start3A_43 = arith.constant 0 : i32
        %dma_start3A_44 = tpu.memref_slice %arg2[%add3A_24, %dma_start3A_43] : memref<12544x128xi32, #tpu.memory_space<hbm>> -> memref<56x128xi32, #tpu.memory_space<hbm>>
        %dma_start3A_45 = arith.constant 0 : i32
        %dma_start3A_46 = tpu.memref_slice %arg2[%add3A_24, %dma_start3A_45] : memref<12544x128xi32, #tpu.memory_space<hbm>> -> memref<56x128xi32, #tpu.memory_space<hbm>>
        tpu.enqueue_dma source(%dma_start3A_46 : memref<56x128xi32, #tpu.memory_space<hbm>>) target(%arg7 : memref<56x128xi32, #tpu.memory_space<vmem>>) target_semaphore(%run_scoped3A : memref<!tpu.dma_semaphore, #tpu.memory_space<semaphore_mem>>)
        %dma_wait3A_47 = arith.constant 0 : i32
        %dma_wait3A_48 = tpu.memref_slice %arg2[%add3A_24, %dma_wait3A_47] : memref<12544x128xi32, #tpu.memory_space<hbm>> -> memref<56x128xi32, #tpu.memory_space<hbm>>
        %dma_wait3A_49 = arith.constant 0 : i32
        %dma_wait3A_50 = tpu.memref_slice %arg2[%add3A_24, %dma_wait3A_49] : memref<12544x128xi32, #tpu.memory_space<hbm>> -> memref<56x128xi32, #tpu.memory_space<hbm>>
        tpu.wait_dma2 semaphore(%run_scoped3A : memref<!tpu.dma_semaphore, #tpu.memory_space<semaphore_mem>>) src(%dma_wait3A_50 : memref<56x128xi32, #tpu.memory_space<hbm>>) dst(%arg7 : memref<56x128xi32, #tpu.memory_space<vmem>>)
        tpu.yield
      }) : () -> ()
      "tpu.region"() ({
        %run_scoped3A = tpu.sem_alloc : memref<!tpu.dma_semaphore, #tpu.memory_space<semaphore_mem>>
        %dma_start3A_43 = arith.constant 0 : i32
        %dma_start3A_44 = tpu.memref_slice %arg3[%add3A_24, %dma_start3A_43] : memref<12544x128xi32, #tpu.memory_space<hbm>> -> memref<56x128xi32, #tpu.memory_space<hbm>>
        %dma_start3A_45 = arith.constant 0 : i32
        %dma_start3A_46 = tpu.memref_slice %arg3[%add3A_24, %dma_start3A_45] : memref<12544x128xi32, #tpu.memory_space<hbm>> -> memref<56x128xi32, #tpu.memory_space<hbm>>
        tpu.enqueue_dma source(%dma_start3A_46 : memref<56x128xi32, #tpu.memory_space<hbm>>) target(%arg8 : memref<56x128xi32, #tpu.memory_space<vmem>>) target_semaphore(%run_scoped3A : memref<!tpu.dma_semaphore, #tpu.memory_space<semaphore_mem>>)
        %dma_wait3A_47 = arith.constant 0 : i32
        %dma_wait3A_48 = tpu.memref_slice %arg3[%add3A_24, %dma_wait3A_47] : memref<12544x128xi32, #tpu.memory_space<hbm>> -> memref<56x128xi32, #tpu.memory_space<hbm>>
        %dma_wait3A_49 = arith.constant 0 : i32
        %dma_wait3A_50 = tpu.memref_slice %arg3[%add3A_24, %dma_wait3A_49] : memref<12544x128xi32, #tpu.memory_space<hbm>> -> memref<56x128xi32, #tpu.memory_space<hbm>>
        tpu.wait_dma2 semaphore(%run_scoped3A : memref<!tpu.dma_semaphore, #tpu.memory_space<semaphore_mem>>) src(%dma_wait3A_50 : memref<56x128xi32, #tpu.memory_space<hbm>>) dst(%arg8 : memref<56x128xi32, #tpu.memory_space<vmem>>)
        tpu.yield
      }) : () -> ()
      %dma_start3A = arith.constant 0 : i32
      %dma_start3A_25 = arith.constant 0 : i32
      %dma_start3A_26 = tpu.memref_slice %arg7[%dma_start3A, %dma_start3A_25] : memref<56x128xi32, #tpu.memory_space<vmem>> -> memref<1x128xi32, #tpu.memory_space<vmem>>
      %dma_start3A_27 = tpu.memref_squeeze %dma_start3A_26 : memref<1x128xi32, #tpu.memory_space<vmem>> -> memref<128xi32, #tpu.memory_space<vmem>>
      %dma_start3A_28 = arith.constant 0 : i32
      %dma_start3A_29 = arith.constant 0 : i32
      %dma_start3A_30 = tpu.memref_slice %arg4[%dma_start3A_28, %dma_start3A_29] : memref<100000x8xf32, #tpu.memory_space<hbm>> -> memref<100000x8xf32, #tpu.memory_space<hbm>>
      tpu.enqueue_indirect_dma source(%dma_start3A_30 : memref<100000x8xf32, #tpu.memory_space<hbm>>) target(%arg9 : memref<128x8xf32, #tpu.memory_space<vmem>>) offsets(%dma_start3A_27 : memref<128xi32, #tpu.memory_space<vmem>>) semaphore(%arg13 : memref<!tpu.dma_semaphore, #tpu.memory_space<semaphore_mem>>)
      %scan3A_31 = arith.constant 0 : i32
      %scan3A_32 = arith.constant 0 : i32
      %scan3A_33 = arith.constant 28 : i32
      %scan3A_34 = arith.addi %scan3A_32, %scan3A_33 : i32
      %scan3A_35 = arith.constant 1 : i32
      scf.for %scan3A_43 = %scan3A_32 to %scan3A_34 step %scan3A_35  : i32 {
        %mul3A_44 = arith.constant 2 : i32
        %mul3A_45 = arith.muli %mul3A_44, %scan3A_43 : i32
        %add3A_46 = arith.constant 1 : i32
        %add3A_47 = arith.addi %mul3A_45, %add3A_46 : i32
        %dma_start3A_48 = arith.constant 0 : i32
        %dma_start3A_49 = tpu.memref_slice %arg7[%add3A_47, %dma_start3A_48] : memref<56x128xi32, #tpu.memory_space<vmem>> -> memref<1x128xi32, #tpu.memory_space<vmem>>
        %dma_start3A_50 = tpu.memref_squeeze %dma_start3A_49 : memref<1x128xi32, #tpu.memory_space<vmem>> -> memref<128xi32, #tpu.memory_space<vmem>>
        %dma_start3A_51 = arith.constant 0 : i32
        %dma_start3A_52 = arith.constant 0 : i32
        %dma_start3A_53 = tpu.memref_slice %arg4[%dma_start3A_51, %dma_start3A_52] : memref<100000x8xf32, #tpu.memory_space<hbm>> -> memref<100000x8xf32, #tpu.memory_space<hbm>>
        tpu.enqueue_indirect_dma source(%dma_start3A_53 : memref<100000x8xf32, #tpu.memory_space<hbm>>) target(%arg10 : memref<128x8xf32, #tpu.memory_space<vmem>>) offsets(%dma_start3A_50 : memref<128xi32, #tpu.memory_space<vmem>>) semaphore(%arg14 : memref<!tpu.dma_semaphore, #tpu.memory_space<semaphore_mem>>)
        %dma_wait3A_54 = arith.constant 0 : i32
        %dma_wait3A_55 = tpu.memref_slice %arg7[%mul3A_45, %dma_wait3A_54] : memref<56x128xi32, #tpu.memory_space<vmem>> -> memref<1x128xi32, #tpu.memory_space<vmem>>
        %dma_wait3A_56 = tpu.memref_squeeze %dma_wait3A_55 : memref<1x128xi32, #tpu.memory_space<vmem>> -> memref<128xi32, #tpu.memory_space<vmem>>
        %dma_wait3A_57 = arith.constant 0 : i32
        %dma_wait3A_58 = arith.constant 0 : i32
        %dma_wait3A_59 = tpu.memref_slice %arg4[%dma_wait3A_57, %dma_wait3A_58] : memref<100000x8xf32, #tpu.memory_space<hbm>> -> memref<100000x8xf32, #tpu.memory_space<hbm>>
        tpu.wait_indirect_dma semaphore(%arg13 : memref<!tpu.dma_semaphore, #tpu.memory_space<semaphore_mem>>) src(%dma_wait3A_59 : memref<100000x8xf32, #tpu.memory_space<hbm>>) dst(%arg9 : memref<128x8xf32, #tpu.memory_space<vmem>>)
        "tpu.region"() ({
          %run_scoped3A = tpu.sem_alloc : memref<!tpu.dma_semaphore, #tpu.memory_space<semaphore_mem>>
          %dma_start3A_79 = arith.constant 0 : i32
          %dma_start3A_80 = tpu.memref_slice %arg8[%mul3A_45, %dma_start3A_79] : memref<56x128xi32, #tpu.memory_space<vmem>> -> memref<1x128xi32, #tpu.memory_space<vmem>>
          %dma_start3A_81 = tpu.memref_squeeze %dma_start3A_80 : memref<1x128xi32, #tpu.memory_space<vmem>> -> memref<128xi32, #tpu.memory_space<vmem>>
          %dma_start3A_82 = arith.constant 0 : i32
          %dma_start3A_83 = arith.constant 0 : i32
          %dma_start3A_84 = tpu.memref_slice %arg12[%dma_start3A_82, %dma_start3A_83] : memref<100096x8xf32, #tpu.memory_space<vmem_shared>> -> memref<100096x8xf32, #tpu.memory_space<vmem_shared>>
          tpu.enqueue_indirect_dma source(%arg9 : memref<128x8xf32, #tpu.memory_space<vmem>>) target(%dma_start3A_84 : memref<100096x8xf32, #tpu.memory_space<vmem_shared>>) offsets(%dma_start3A_81 : memref<128xi32, #tpu.memory_space<vmem>>) semaphore(%run_scoped3A : memref<!tpu.dma_semaphore, #tpu.memory_space<semaphore_mem>>) {add = true}
          %dma_wait3A_85 = arith.constant 0 : i32
          %dma_wait3A_86 = tpu.memref_slice %arg8[%mul3A_45, %dma_wait3A_85] : memref<56x128xi32, #tpu.memory_space<vmem>> -> memref<1x128xi32, #tpu.memory_space<vmem>>
          %dma_wait3A_87 = tpu.memref_squeeze %dma_wait3A_86 : memref<1x128xi32, #tpu.memory_space<vmem>> -> memref<128xi32, #tpu.memory_space<vmem>>
          %dma_wait3A_88 = arith.constant 0 : i32
          %dma_wait3A_89 = arith.constant 0 : i32
          %dma_wait3A_90 = tpu.memref_slice %arg12[%dma_wait3A_88, %dma_wait3A_89] : memref<100096x8xf32, #tpu.memory_space<vmem_shared>> -> memref<100096x8xf32, #tpu.memory_space<vmem_shared>>
          tpu.wait_indirect_dma semaphore(%run_scoped3A : memref<!tpu.dma_semaphore, #tpu.memory_space<semaphore_mem>>) src(%arg9 : memref<128x8xf32, #tpu.memory_space<vmem>>) dst(%dma_wait3A_90 : memref<100096x8xf32, #tpu.memory_space<vmem_shared>>)
          tpu.yield
        }) : () -> ()
        %add3A_60 = arith.constant 2 : i32
        %add3A_61 = arith.addi %mul3A_45, %add3A_60 : i32
        %min3A = arith.constant 55 : i32
        %min3A_62 = arith.minsi %add3A_61, %min3A : i32
        %dma_start3A_63 = arith.constant 0 : i32
        %dma_start3A_64 = tpu.memref_slice %arg7[%min3A_62, %dma_start3A_63] : memref<56x128xi32, #tpu.memory_space<vmem>> -> memref<1x128xi32, #tpu.memory_space<vmem>>
        %dma_start3A_65 = tpu.memref_squeeze %dma_start3A_64 : memref<1x128xi32, #tpu.memory_space<vmem>> -> memref<128xi32, #tpu.memory_space<vmem>>
        %dma_start3A_66 = arith.constant 0 : i32
        %dma_start3A_67 = arith.constant 0 : i32
        %dma_start3A_68 = tpu.memref_slice %arg4[%dma_start3A_66, %dma_start3A_67] : memref<100000x8xf32, #tpu.memory_space<hbm>> -> memref<100000x8xf32, #tpu.memory_space<hbm>>
        tpu.enqueue_indirect_dma source(%dma_start3A_68 : memref<100000x8xf32, #tpu.memory_space<hbm>>) target(%arg9 : memref<128x8xf32, #tpu.memory_space<vmem>>) offsets(%dma_start3A_65 : memref<128xi32, #tpu.memory_space<vmem>>) semaphore(%arg13 : memref<!tpu.dma_semaphore, #tpu.memory_space<semaphore_mem>>)
        %add3A_69 = arith.constant 1 : i32
        %add3A_70 = arith.addi %mul3A_45, %add3A_69 : i32
        %dma_wait3A_71 = arith.constant 0 : i32
        %dma_wait3A_72 = tpu.memref_slice %arg7[%add3A_70, %dma_wait3A_71] : memref<56x128xi32, #tpu.memory_space<vmem>> -> memref<1x128xi32, #tpu.memory_space<vmem>>
        %dma_wait3A_73 = tpu.memref_squeeze %dma_wait3A_72 : memref<1x128xi32, #tpu.memory_space<vmem>> -> memref<128xi32, #tpu.memory_space<vmem>>
        %dma_wait3A_74 = arith.constant 0 : i32
        %dma_wait3A_75 = arith.constant 0 : i32
        %dma_wait3A_76 = tpu.memref_slice %arg4[%dma_wait3A_74, %dma_wait3A_75] : memref<100000x8xf32, #tpu.memory_space<hbm>> -> memref<100000x8xf32, #tpu.memory_space<hbm>>
        tpu.wait_indirect_dma semaphore(%arg14 : memref<!tpu.dma_semaphore, #tpu.memory_space<semaphore_mem>>) src(%dma_wait3A_76 : memref<100000x8xf32, #tpu.memory_space<hbm>>) dst(%arg10 : memref<128x8xf32, #tpu.memory_space<vmem>>)
        %add3A_77 = arith.constant 1 : i32
        %add3A_78 = arith.addi %mul3A_45, %add3A_77 : i32
        "tpu.region"() ({
          %run_scoped3A = tpu.sem_alloc : memref<!tpu.dma_semaphore, #tpu.memory_space<semaphore_mem>>
          %dma_start3A_79 = arith.constant 0 : i32
          %dma_start3A_80 = tpu.memref_slice %arg8[%add3A_78, %dma_start3A_79] : memref<56x128xi32, #tpu.memory_space<vmem>> -> memref<1x128xi32, #tpu.memory_space<vmem>>
          %dma_start3A_81 = tpu.memref_squeeze %dma_start3A_80 : memref<1x128xi32, #tpu.memory_space<vmem>> -> memref<128xi32, #tpu.memory_space<vmem>>
          %dma_start3A_82 = arith.constant 0 : i32
          %dma_start3A_83 = arith.constant 0 : i32
          %dma_start3A_84 = tpu.memref_slice %arg12[%dma_start3A_82, %dma_start3A_83] : memref<100096x8xf32, #tpu.memory_space<vmem_shared>> -> memref<100096x8xf32, #tpu.memory_space<vmem_shared>>
          tpu.enqueue_indirect_dma source(%arg10 : memref<128x8xf32, #tpu.memory_space<vmem>>) target(%dma_start3A_84 : memref<100096x8xf32, #tpu.memory_space<vmem_shared>>) offsets(%dma_start3A_81 : memref<128xi32, #tpu.memory_space<vmem>>) semaphore(%run_scoped3A : memref<!tpu.dma_semaphore, #tpu.memory_space<semaphore_mem>>) {add = true}
          %dma_wait3A_85 = arith.constant 0 : i32
          %dma_wait3A_86 = tpu.memref_slice %arg8[%add3A_78, %dma_wait3A_85] : memref<56x128xi32, #tpu.memory_space<vmem>> -> memref<1x128xi32, #tpu.memory_space<vmem>>
          %dma_wait3A_87 = tpu.memref_squeeze %dma_wait3A_86 : memref<1x128xi32, #tpu.memory_space<vmem>> -> memref<128xi32, #tpu.memory_space<vmem>>
          %dma_wait3A_88 = arith.constant 0 : i32
          %dma_wait3A_89 = arith.constant 0 : i32
          %dma_wait3A_90 = tpu.memref_slice %arg12[%dma_wait3A_88, %dma_wait3A_89] : memref<100096x8xf32, #tpu.memory_space<vmem_shared>> -> memref<100096x8xf32, #tpu.memory_space<vmem_shared>>
          tpu.wait_indirect_dma semaphore(%run_scoped3A : memref<!tpu.dma_semaphore, #tpu.memory_space<semaphore_mem>>) src(%arg10 : memref<128x8xf32, #tpu.memory_space<vmem>>) dst(%dma_wait3A_90 : memref<100096x8xf32, #tpu.memory_space<vmem_shared>>)
          tpu.yield
        }) : () -> ()
      }
      %scan3A_36 = arith.constant 28 : i32
      %dma_wait3A = arith.constant 55 : i32
      %dma_wait3A_37 = arith.constant 0 : i32
      %dma_wait3A_38 = tpu.memref_slice %arg7[%dma_wait3A, %dma_wait3A_37] : memref<56x128xi32, #tpu.memory_space<vmem>> -> memref<1x128xi32, #tpu.memory_space<vmem>>
      %dma_wait3A_39 = tpu.memref_squeeze %dma_wait3A_38 : memref<1x128xi32, #tpu.memory_space<vmem>> -> memref<128xi32, #tpu.memory_space<vmem>>
      %dma_wait3A_40 = arith.constant 0 : i32
      %dma_wait3A_41 = arith.constant 0 : i32
      %dma_wait3A_42 = tpu.memref_slice %arg4[%dma_wait3A_40, %dma_wait3A_41] : memref<100000x8xf32, #tpu.memory_space<hbm>> -> memref<100000x8xf32, #tpu.memory_space<hbm>>
      tpu.wait_indirect_dma semaphore(%arg13 : memref<!tpu.dma_semaphore, #tpu.memory_space<semaphore_mem>>) src(%dma_wait3A_42 : memref<100000x8xf32, #tpu.memory_space<hbm>>) dst(%arg9 : memref<128x8xf32, #tpu.memory_space<vmem>>)
    }
    %scan3A_13 = arith.constant 7 : i32
    %barrier3A_14 = arith.constant 0 : index
    tpu.barrier barrier_id(%barrier3A_14)
    %scan3A_15 = arith.constant 0 : i32
    %scan3A_16 = arith.constant 0 : i32
    %scan3A_17 = arith.constant 16 : i32
    %scan3A_18 = arith.addi %scan3A_16, %scan3A_17 : i32
    %scan3A_19 = arith.constant 1 : i32
    scf.for %scan3A_21 = %scan3A_16 to %scan3A_18 step %scan3A_19  : i32 {
      %mul3A_22 = arith.constant 6256 : i32
      %mul3A_23 = arith.muli %arg1, %mul3A_22 : i32
      %mul3A_24 = arith.constant 391 : i32
      %mul3A_25 = arith.muli %scan3A_21, %mul3A_24 : i32
      %add3A_26 = arith.addi %mul3A_23, %mul3A_25 : i32
      "tpu.region"() ({
        %run_scoped3A = tpu.sem_alloc : memref<!tpu.dma_semaphore, #tpu.memory_space<semaphore_mem>>
        %dma_start3A = arith.constant 0 : i32
        %dma_start3A_27 = tpu.memref_slice %arg12[%add3A_26, %dma_start3A] : memref<100096x8xf32, #tpu.memory_space<vmem_shared>> -> memref<391x8xf32, #tpu.memory_space<vmem_shared>>
        %dma_start3A_28 = arith.constant 0 : i32
        %dma_start3A_29 = tpu.memref_slice %arg12[%add3A_26, %dma_start3A_28] : memref<100096x8xf32, #tpu.memory_space<vmem_shared>> -> memref<391x8xf32, #tpu.memory_space<vmem_shared>>
        tpu.enqueue_dma source(%dma_start3A_29 : memref<391x8xf32, #tpu.memory_space<vmem_shared>>) target(%arg11 : memref<391x8xf32, #tpu.memory_space<vmem>>) target_semaphore(%run_scoped3A : memref<!tpu.dma_semaphore, #tpu.memory_space<semaphore_mem>>)
        %dma_wait3A = arith.constant 0 : i32
        %dma_wait3A_30 = tpu.memref_slice %arg12[%add3A_26, %dma_wait3A] : memref<100096x8xf32, #tpu.memory_space<vmem_shared>> -> memref<391x8xf32, #tpu.memory_space<vmem_shared>>
        %dma_wait3A_31 = arith.constant 0 : i32
        %dma_wait3A_32 = tpu.memref_slice %arg12[%add3A_26, %dma_wait3A_31] : memref<100096x8xf32, #tpu.memory_space<vmem_shared>> -> memref<391x8xf32, #tpu.memory_space<vmem_shared>>
        tpu.wait_dma2 semaphore(%run_scoped3A : memref<!tpu.dma_semaphore, #tpu.memory_space<semaphore_mem>>) src(%dma_wait3A_32 : memref<391x8xf32, #tpu.memory_space<vmem_shared>>) dst(%arg11 : memref<391x8xf32, #tpu.memory_space<vmem>>)
        tpu.yield
      }) : () -> ()
      "tpu.region"() ({
        %run_scoped3A = tpu.sem_alloc : memref<!tpu.dma_semaphore, #tpu.memory_space<semaphore_mem>>
        %dma_start3A = arith.constant 0 : i32
        %dma_start3A_27 = tpu.memref_slice %arg6[%arg0, %add3A_26, %dma_start3A] : memref<2x100096x8xf32, #tpu.memory_space<hbm>> -> memref<1x391x8xf32, #tpu.memory_space<hbm>>
        %dma_start3A_28 = tpu.memref_squeeze %dma_start3A_27 : memref<1x391x8xf32, #tpu.memory_space<hbm>> -> memref<391x8xf32, #tpu.memory_space<hbm>>
        %dma_start3A_29 = arith.constant 0 : i32
        %dma_start3A_30 = tpu.memref_slice %arg6[%arg0, %add3A_26, %dma_start3A_29] : memref<2x100096x8xf32, #tpu.memory_space<hbm>> -> memref<1x391x8xf32, #tpu.memory_space<hbm>>
        %dma_start3A_31 = tpu.memref_squeeze %dma_start3A_30 : memref<1x391x8xf32, #tpu.memory_space<hbm>> -> memref<391x8xf32, #tpu.memory_space<hbm>>
        tpu.enqueue_dma source(%arg11 : memref<391x8xf32, #tpu.memory_space<vmem>>) target(%dma_start3A_31 : memref<391x8xf32, #tpu.memory_space<hbm>>) target_semaphore(%run_scoped3A : memref<!tpu.dma_semaphore, #tpu.memory_space<semaphore_mem>>)
        %dma_wait3A = arith.constant 0 : i32
        %dma_wait3A_32 = tpu.memref_slice %arg6[%arg0, %add3A_26, %dma_wait3A] : memref<2x100096x8xf32, #tpu.memory_space<hbm>> -> memref<1x391x8xf32, #tpu.memory_space<hbm>>
        %dma_wait3A_33 = tpu.memref_squeeze %dma_wait3A_32 : memref<1x391x8xf32, #tpu.memory_space<hbm>> -> memref<391x8xf32, #tpu.memory_space<hbm>>
        %dma_wait3A_34 = arith.constant 0 : i32
        %dma_wait3A_35 = tpu.memref_slice %arg6[%arg0, %add3A_26, %dma_wait3A_34] : memref<2x100096x8xf32, #tpu.memory_space<hbm>> -> memref<1x391x8xf32, #tpu.memory_space<hbm>>
        %dma_wait3A_36 = tpu.memref_squeeze %dma_wait3A_35 : memref<1x391x8xf32, #tpu.memory_space<hbm>> -> memref<391x8xf32, #tpu.memory_space<hbm>>
        tpu.wait_dma2 semaphore(%run_scoped3A : memref<!tpu.dma_semaphore, #tpu.memory_space<semaphore_mem>>) src(%arg11 : memref<391x8xf32, #tpu.memory_space<vmem>>) dst(%dma_wait3A_36 : memref<391x8xf32, #tpu.memory_space<hbm>>)
        tpu.yield
      }) : () -> ()
    }
    %scan3A_20 = arith.constant 16 : i32
    return
  }
}

#map = affine_map<(d0, d1) -> (0, 0)>
#map1 = affine_map<(d0, d1) -> (0)>
module attributes {stable_mosaic.version = 14 : i64} {
  func.func @_sc_degree(%arg0: i32, %arg1: i32, %arg2: memref<12544x128xi32, #tpu.memory_space<hbm>>, %arg3: memref<3128xf32, #tpu.memory_space<hbm>>, %arg4: memref<200192xf32, #tpu.memory_space<hbm>>, %arg5: memref<56x128xi32, #tpu.memory_space<vmem>>, %arg6: memref<128xf32, #tpu.memory_space<vmem>>, %arg7: memref<3128xf32, #tpu.memory_space<vmem>>, %arg8: memref<100096xf32, #tpu.memory_space<vmem_shared>>) attributes {dimension_semantics = [#tpu.dimension_semantics<core_parallel>, #tpu.dimension_semantics<subcore_parallel>], iteration_bounds = array<i64: 2, 16>, scalar_prefetch = 0 : i64, scratch_operands = 4 : i64, tpu.core_type = #tpu.core_type<sc_vector_subcore>, window_params = [{transform_indices = #map}, {transform_indices = #map1}, {transform_indices = #map1}]} {
    "tpu.region"() ({
      %run_scoped3A = tpu.sem_alloc : memref<!tpu.dma_semaphore, #tpu.memory_space<semaphore_mem>>
      tpu.enqueue_dma source(%arg3 : memref<3128xf32, #tpu.memory_space<hbm>>) target(%arg7 : memref<3128xf32, #tpu.memory_space<vmem>>) target_semaphore(%run_scoped3A : memref<!tpu.dma_semaphore, #tpu.memory_space<semaphore_mem>>)
      tpu.wait_dma2 semaphore(%run_scoped3A : memref<!tpu.dma_semaphore, #tpu.memory_space<semaphore_mem>>) src(%arg3 : memref<3128xf32, #tpu.memory_space<hbm>>) dst(%arg7 : memref<3128xf32, #tpu.memory_space<vmem>>)
      tpu.yield
    }) : () -> ()
    %mul3A = arith.constant 6256 : i32
    %mul3A_0 = arith.muli %arg1, %mul3A : i32
    %add3A = arith.constant 0 : i32
    %add3A_1 = arith.addi %mul3A_0, %add3A : i32
    "tpu.region"() ({
      %run_scoped3A = tpu.sem_alloc : memref<!tpu.dma_semaphore, #tpu.memory_space<semaphore_mem>>
      %dma_start3A = tpu.memref_slice %arg8[%add3A_1] : memref<100096xf32, #tpu.memory_space<vmem_shared>> -> memref<3128xf32, #tpu.memory_space<vmem_shared>>
      %dma_start3A_77 = tpu.memref_slice %arg8[%add3A_1] : memref<100096xf32, #tpu.memory_space<vmem_shared>> -> memref<3128xf32, #tpu.memory_space<vmem_shared>>
      tpu.enqueue_dma source(%arg7 : memref<3128xf32, #tpu.memory_space<vmem>>) target(%dma_start3A_77 : memref<3128xf32, #tpu.memory_space<vmem_shared>>) target_semaphore(%run_scoped3A : memref<!tpu.dma_semaphore, #tpu.memory_space<semaphore_mem>>)
      %dma_wait3A = tpu.memref_slice %arg8[%add3A_1] : memref<100096xf32, #tpu.memory_space<vmem_shared>> -> memref<3128xf32, #tpu.memory_space<vmem_shared>>
      %dma_wait3A_78 = tpu.memref_slice %arg8[%add3A_1] : memref<100096xf32, #tpu.memory_space<vmem_shared>> -> memref<3128xf32, #tpu.memory_space<vmem_shared>>
      tpu.wait_dma2 semaphore(%run_scoped3A : memref<!tpu.dma_semaphore, #tpu.memory_space<semaphore_mem>>) src(%arg7 : memref<3128xf32, #tpu.memory_space<vmem>>) dst(%dma_wait3A_78 : memref<3128xf32, #tpu.memory_space<vmem_shared>>)
      tpu.yield
    }) : () -> ()
    %mul3A_2 = arith.constant 6256 : i32
    %mul3A_3 = arith.muli %arg1, %mul3A_2 : i32
    %add3A_4 = arith.constant 3128 : i32
    %add3A_5 = arith.addi %mul3A_3, %add3A_4 : i32
    "tpu.region"() ({
      %run_scoped3A = tpu.sem_alloc : memref<!tpu.dma_semaphore, #tpu.memory_space<semaphore_mem>>
      %dma_start3A = tpu.memref_slice %arg8[%add3A_5] : memref<100096xf32, #tpu.memory_space<vmem_shared>> -> memref<3128xf32, #tpu.memory_space<vmem_shared>>
      %dma_start3A_77 = tpu.memref_slice %arg8[%add3A_5] : memref<100096xf32, #tpu.memory_space<vmem_shared>> -> memref<3128xf32, #tpu.memory_space<vmem_shared>>
      tpu.enqueue_dma source(%arg7 : memref<3128xf32, #tpu.memory_space<vmem>>) target(%dma_start3A_77 : memref<3128xf32, #tpu.memory_space<vmem_shared>>) target_semaphore(%run_scoped3A : memref<!tpu.dma_semaphore, #tpu.memory_space<semaphore_mem>>)
      %dma_wait3A = tpu.memref_slice %arg8[%add3A_5] : memref<100096xf32, #tpu.memory_space<vmem_shared>> -> memref<3128xf32, #tpu.memory_space<vmem_shared>>
      %dma_wait3A_78 = tpu.memref_slice %arg8[%add3A_5] : memref<100096xf32, #tpu.memory_space<vmem_shared>> -> memref<3128xf32, #tpu.memory_space<vmem_shared>>
      tpu.wait_dma2 semaphore(%run_scoped3A : memref<!tpu.dma_semaphore, #tpu.memory_space<semaphore_mem>>) src(%arg7 : memref<3128xf32, #tpu.memory_space<vmem>>) dst(%dma_wait3A_78 : memref<3128xf32, #tpu.memory_space<vmem_shared>>)
      tpu.yield
    }) : () -> ()
    %broadcast_in_dim3A = arith.constant 1.000000e+00 : f32
    %broadcast_in_dim3A_6 = vector.broadcast %broadcast_in_dim3A : f32 to vector<16xf32>
    %swap3A = arith.constant 0 : index
    %swap3A_7 = tpu.vector_load %arg6[%swap3A] {strides = array<i32>} : memref<128xf32, #tpu.memory_space<vmem>>, vector<16xf32>,
    %swap3A_8 = vector.shape_cast %swap3A_7 : vector<16xf32> to vector<16xf32>
    %swap3A_9 = vector.shape_cast %broadcast_in_dim3A_6 : vector<16xf32> to vector<16xf32>
    tpu.vector_store %arg6[%swap3A], %swap3A_9 {strides = array<i32>} : memref<128xf32, #tpu.memory_space<vmem>>, vector<16xf32>,
    %broadcast_in_dim3A_10 = arith.constant 1.000000e+00 : f32
    %broadcast_in_dim3A_11 = vector.broadcast %broadcast_in_dim3A_10 : f32 to vector<16xf32>
    %swap3A_12 = arith.constant 16 : index
    %swap3A_13 = tpu.vector_load %arg6[%swap3A_12] {strides = array<i32>} : memref<128xf32, #tpu.memory_space<vmem>>, vector<16xf32>,
    %swap3A_14 = vector.shape_cast %swap3A_13 : vector<16xf32> to vector<16xf32>
    %swap3A_15 = vector.shape_cast %broadcast_in_dim3A_11 : vector<16xf32> to vector<16xf32>
    tpu.vector_store %arg6[%swap3A_12], %swap3A_15 {strides = array<i32>} : memref<128xf32, #tpu.memory_space<vmem>>, vector<16xf32>,
    %broadcast_in_dim3A_16 = arith.constant 1.000000e+00 : f32
    %broadcast_in_dim3A_17 = vector.broadcast %broadcast_in_dim3A_16 : f32 to vector<16xf32>
    %swap3A_18 = arith.constant 32 : index
    %swap3A_19 = tpu.vector_load %arg6[%swap3A_18] {strides = array<i32>} : memref<128xf32, #tpu.memory_space<vmem>>, vector<16xf32>,
    %swap3A_20 = vector.shape_cast %swap3A_19 : vector<16xf32> to vector<16xf32>
    %swap3A_21 = vector.shape_cast %broadcast_in_dim3A_17 : vector<16xf32> to vector<16xf32>
    tpu.vector_store %arg6[%swap3A_18], %swap3A_21 {strides = array<i32>} : memref<128xf32, #tpu.memory_space<vmem>>, vector<16xf32>,
    %broadcast_in_dim3A_22 = arith.constant 1.000000e+00 : f32
    %broadcast_in_dim3A_23 = vector.broadcast %broadcast_in_dim3A_22 : f32 to vector<16xf32>
    %swap3A_24 = arith.constant 48 : index
    %swap3A_25 = tpu.vector_load %arg6[%swap3A_24] {strides = array<i32>} : memref<128xf32, #tpu.memory_space<vmem>>, vector<16xf32>,
    %swap3A_26 = vector.shape_cast %swap3A_25 : vector<16xf32> to vector<16xf32>
    %swap3A_27 = vector.shape_cast %broadcast_in_dim3A_23 : vector<16xf32> to vector<16xf32>
    tpu.vector_store %arg6[%swap3A_24], %swap3A_27 {strides = array<i32>} : memref<128xf32, #tpu.memory_space<vmem>>, vector<16xf32>,
    %broadcast_in_dim3A_28 = arith.constant 1.000000e+00 : f32
    %broadcast_in_dim3A_29 = vector.broadcast %broadcast_in_dim3A_28 : f32 to vector<16xf32>
    %swap3A_30 = arith.constant 64 : index
    %swap3A_31 = tpu.vector_load %arg6[%swap3A_30] {strides = array<i32>} : memref<128xf32, #tpu.memory_space<vmem>>, vector<16xf32>,
    %swap3A_32 = vector.shape_cast %swap3A_31 : vector<16xf32> to vector<16xf32>
    %swap3A_33 = vector.shape_cast %broadcast_in_dim3A_29 : vector<16xf32> to vector<16xf32>
    tpu.vector_store %arg6[%swap3A_30], %swap3A_33 {strides = array<i32>} : memref<128xf32, #tpu.memory_space<vmem>>, vector<16xf32>,
    %broadcast_in_dim3A_34 = arith.constant 1.000000e+00 : f32
    %broadcast_in_dim3A_35 = vector.broadcast %broadcast_in_dim3A_34 : f32 to vector<16xf32>
    %swap3A_36 = arith.constant 80 : index
    %swap3A_37 = tpu.vector_load %arg6[%swap3A_36] {strides = array<i32>} : memref<128xf32, #tpu.memory_space<vmem>>, vector<16xf32>,
    %swap3A_38 = vector.shape_cast %swap3A_37 : vector<16xf32> to vector<16xf32>
    %swap3A_39 = vector.shape_cast %broadcast_in_dim3A_35 : vector<16xf32> to vector<16xf32>
    tpu.vector_store %arg6[%swap3A_36], %swap3A_39 {strides = array<i32>} : memref<128xf32, #tpu.memory_space<vmem>>, vector<16xf32>,
    %broadcast_in_dim3A_40 = arith.constant 1.000000e+00 : f32
    %broadcast_in_dim3A_41 = vector.broadcast %broadcast_in_dim3A_40 : f32 to vector<16xf32>
    %swap3A_42 = arith.constant 96 : index
    %swap3A_43 = tpu.vector_load %arg6[%swap3A_42] {strides = array<i32>} : memref<128xf32, #tpu.memory_space<vmem>>, vector<16xf32>,
    %swap3A_44 = vector.shape_cast %swap3A_43 : vector<16xf32> to vector<16xf32>
    %swap3A_45 = vector.shape_cast %broadcast_in_dim3A_41 : vector<16xf32> to vector<16xf32>
    tpu.vector_store %arg6[%swap3A_42], %swap3A_45 {strides = array<i32>} : memref<128xf32, #tpu.memory_space<vmem>>, vector<16xf32>,
    %broadcast_in_dim3A_46 = arith.constant 1.000000e+00 : f32
    %broadcast_in_dim3A_47 = vector.broadcast %broadcast_in_dim3A_46 : f32 to vector<16xf32>
    %swap3A_48 = arith.constant 112 : index
    %swap3A_49 = tpu.vector_load %arg6[%swap3A_48] {strides = array<i32>} : memref<128xf32, #tpu.memory_space<vmem>>, vector<16xf32>,
    %swap3A_50 = vector.shape_cast %swap3A_49 : vector<16xf32> to vector<16xf32>
    %swap3A_51 = vector.shape_cast %broadcast_in_dim3A_47 : vector<16xf32> to vector<16xf32>
    tpu.vector_store %arg6[%swap3A_48], %swap3A_51 {strides = array<i32>} : memref<128xf32, #tpu.memory_space<vmem>>, vector<16xf32>,
    %barrier3A = arith.constant 0 : index
    tpu.barrier barrier_id(%barrier3A)
    %mul3A_52 = arith.constant 6272 : i32
    %mul3A_53 = arith.muli %arg0, %mul3A_52 : i32
    %mul3A_54 = arith.constant 392 : i32
    %mul3A_55 = arith.muli %arg1, %mul3A_54 : i32
    %add3A_56 = arith.addi %mul3A_53, %mul3A_55 : i32
    %scan3A = arith.constant 0 : i32
    %scan3A_57 = arith.constant 0 : i32
    %scan3A_58 = arith.constant 7 : i32
    %scan3A_59 = arith.addi %scan3A_57, %scan3A_58 : i32
    %scan3A_60 = arith.constant 1 : i32
    scf.for %scan3A_77 = %scan3A_57 to %scan3A_59 step %scan3A_60  : i32 {
      %mul3A_78 = arith.constant 56 : i32
      %mul3A_79 = arith.muli %scan3A_77, %mul3A_78 : i32
      %add3A_80 = arith.addi %add3A_56, %mul3A_79 : i32
      "tpu.region"() ({
        %run_scoped3A = tpu.sem_alloc : memref<!tpu.dma_semaphore, #tpu.memory_space<semaphore_mem>>
        %dma_start3A = arith.constant 0 : i32
        %dma_start3A_86 = tpu.memref_slice %arg2[%add3A_80, %dma_start3A] : memref<12544x128xi32, #tpu.memory_space<hbm>> -> memref<56x128xi32, #tpu.memory_space<hbm>>
        %dma_start3A_87 = arith.constant 0 : i32
        %dma_start3A_88 = tpu.memref_slice %arg2[%add3A_80, %dma_start3A_87] : memref<12544x128xi32, #tpu.memory_space<hbm>> -> memref<56x128xi32, #tpu.memory_space<hbm>>
        tpu.enqueue_dma source(%dma_start3A_88 : memref<56x128xi32, #tpu.memory_space<hbm>>) target(%arg5 : memref<56x128xi32, #tpu.memory_space<vmem>>) target_semaphore(%run_scoped3A : memref<!tpu.dma_semaphore, #tpu.memory_space<semaphore_mem>>)
        %dma_wait3A = arith.constant 0 : i32
        %dma_wait3A_89 = tpu.memref_slice %arg2[%add3A_80, %dma_wait3A] : memref<12544x128xi32, #tpu.memory_space<hbm>> -> memref<56x128xi32, #tpu.memory_space<hbm>>
        %dma_wait3A_90 = arith.constant 0 : i32
        %dma_wait3A_91 = tpu.memref_slice %arg2[%add3A_80, %dma_wait3A_90] : memref<12544x128xi32, #tpu.memory_space<hbm>> -> memref<56x128xi32, #tpu.memory_space<hbm>>
        tpu.wait_dma2 semaphore(%run_scoped3A : memref<!tpu.dma_semaphore, #tpu.memory_space<semaphore_mem>>) src(%dma_wait3A_91 : memref<56x128xi32, #tpu.memory_space<hbm>>) dst(%arg5 : memref<56x128xi32, #tpu.memory_space<vmem>>)
        tpu.yield
      }) : () -> ()
      %scan3A_81 = arith.constant 0 : i32
      %scan3A_82 = arith.constant 56 : i32
      %scan3A_83 = arith.addi %scan3A_81, %scan3A_82 : i32
      %scan3A_84 = arith.constant 1 : i32
      scf.for %scan3A_86 = %scan3A_81 to %scan3A_83 step %scan3A_84  : i32 {
        "tpu.region"() ({
          %run_scoped3A = tpu.sem_alloc : memref<!tpu.dma_semaphore, #tpu.memory_space<semaphore_mem>>
          %dma_start3A = arith.constant 0 : i32
          %dma_start3A_87 = tpu.memref_slice %arg5[%scan3A_86, %dma_start3A] : memref<56x128xi32, #tpu.memory_space<vmem>> -> memref<1x128xi32, #tpu.memory_space<vmem>>
          %dma_start3A_88 = tpu.memref_squeeze %dma_start3A_87 : memref<1x128xi32, #tpu.memory_space<vmem>> -> memref<128xi32, #tpu.memory_space<vmem>>
          %dma_start3A_89 = arith.constant 0 : i32
          %dma_start3A_90 = tpu.memref_slice %arg8[%dma_start3A_89] : memref<100096xf32, #tpu.memory_space<vmem_shared>> -> memref<100096xf32, #tpu.memory_space<vmem_shared>>
          tpu.enqueue_indirect_dma source(%arg6 : memref<128xf32, #tpu.memory_space<vmem>>) target(%dma_start3A_90 : memref<100096xf32, #tpu.memory_space<vmem_shared>>) offsets(%dma_start3A_88 : memref<128xi32, #tpu.memory_space<vmem>>) semaphore(%run_scoped3A : memref<!tpu.dma_semaphore, #tpu.memory_space<semaphore_mem>>) {add = true}
          %dma_wait3A = arith.constant 0 : i32
          %dma_wait3A_91 = tpu.memref_slice %arg5[%scan3A_86, %dma_wait3A] : memref<56x128xi32, #tpu.memory_space<vmem>> -> memref<1x128xi32, #tpu.memory_space<vmem>>
          %dma_wait3A_92 = tpu.memref_squeeze %dma_wait3A_91 : memref<1x128xi32, #tpu.memory_space<vmem>> -> memref<128xi32, #tpu.memory_space<vmem>>
          %dma_wait3A_93 = arith.constant 0 : i32
          %dma_wait3A_94 = tpu.memref_slice %arg8[%dma_wait3A_93] : memref<100096xf32, #tpu.memory_space<vmem_shared>> -> memref<100096xf32, #tpu.memory_space<vmem_shared>>
          tpu.wait_indirect_dma semaphore(%run_scoped3A : memref<!tpu.dma_semaphore, #tpu.memory_space<semaphore_mem>>) src(%arg6 : memref<128xf32, #tpu.memory_space<vmem>>) dst(%dma_wait3A_94 : memref<100096xf32, #tpu.memory_space<vmem_shared>>)
          tpu.yield
        }) : () -> ()
      }
      %scan3A_85 = arith.constant 56 : i32
    }
    %scan3A_61 = arith.constant 7 : i32
    %barrier3A_62 = arith.constant 0 : index
    tpu.barrier barrier_id(%barrier3A_62)
    %mul3A_63 = arith.constant 6256 : i32
    %mul3A_64 = arith.muli %arg1, %mul3A_63 : i32
    %add3A_65 = arith.constant 0 : i32
    %add3A_66 = arith.addi %mul3A_64, %add3A_65 : i32
    "tpu.region"() ({
      %run_scoped3A = tpu.sem_alloc : memref<!tpu.dma_semaphore, #tpu.memory_space<semaphore_mem>>
      %dma_start3A = tpu.memref_slice %arg8[%add3A_66] : memref<100096xf32, #tpu.memory_space<vmem_shared>> -> memref<3128xf32, #tpu.memory_space<vmem_shared>>
      %dma_start3A_77 = tpu.memref_slice %arg8[%add3A_66] : memref<100096xf32, #tpu.memory_space<vmem_shared>> -> memref<3128xf32, #tpu.memory_space<vmem_shared>>
      tpu.enqueue_dma source(%dma_start3A_77 : memref<3128xf32, #tpu.memory_space<vmem_shared>>) target(%arg7 : memref<3128xf32, #tpu.memory_space<vmem>>) target_semaphore(%run_scoped3A : memref<!tpu.dma_semaphore, #tpu.memory_space<semaphore_mem>>)
      %dma_wait3A = tpu.memref_slice %arg8[%add3A_66] : memref<100096xf32, #tpu.memory_space<vmem_shared>> -> memref<3128xf32, #tpu.memory_space<vmem_shared>>
      %dma_wait3A_78 = tpu.memref_slice %arg8[%add3A_66] : memref<100096xf32, #tpu.memory_space<vmem_shared>> -> memref<3128xf32, #tpu.memory_space<vmem_shared>>
      tpu.wait_dma2 semaphore(%run_scoped3A : memref<!tpu.dma_semaphore, #tpu.memory_space<semaphore_mem>>) src(%dma_wait3A_78 : memref<3128xf32, #tpu.memory_space<vmem_shared>>) dst(%arg7 : memref<3128xf32, #tpu.memory_space<vmem>>)
      tpu.yield
    }) : () -> ()
    %mul3A_67 = arith.constant 100096 : i32
    %mul3A_68 = arith.muli %arg0, %mul3A_67 : i32
    %add3A_69 = arith.addi %mul3A_68, %add3A_66 : i32
    "tpu.region"() ({
      %run_scoped3A = tpu.sem_alloc : memref<!tpu.dma_semaphore, #tpu.memory_space<semaphore_mem>>
      %dma_start3A = tpu.memref_slice %arg4[%add3A_69] : memref<200192xf32, #tpu.memory_space<hbm>> -> memref<3128xf32, #tpu.memory_space<hbm>>
      %dma_start3A_77 = tpu.memref_slice %arg4[%add3A_69] : memref<200192xf32, #tpu.memory_space<hbm>> -> memref<3128xf32, #tpu.memory_space<hbm>>
      tpu.enqueue_dma source(%arg7 : memref<3128xf32, #tpu.memory_space<vmem>>) target(%dma_start3A_77 : memref<3128xf32, #tpu.memory_space<hbm>>) target_semaphore(%run_scoped3A : memref<!tpu.dma_semaphore, #tpu.memory_space<semaphore_mem>>)
      %dma_wait3A = tpu.memref_slice %arg4[%add3A_69] : memref<200192xf32, #tpu.memory_space<hbm>> -> memref<3128xf32, #tpu.memory_space<hbm>>
      %dma_wait3A_78 = tpu.memref_slice %arg4[%add3A_69] : memref<200192xf32, #tpu.memory_space<hbm>> -> memref<3128xf32, #tpu.memory_space<hbm>>
      tpu.wait_dma2 semaphore(%run_scoped3A : memref<!tpu.dma_semaphore, #tpu.memory_space<semaphore_mem>>) src(%arg7 : memref<3128xf32, #tpu.memory_space<vmem>>) dst(%dma_wait3A_78 : memref<3128xf32, #tpu.memory_space<hbm>>)
      tpu.yield
    }) : () -> ()
    %mul3A_70 = arith.constant 6256 : i32
    %mul3A_71 = arith.muli %arg1, %mul3A_70 : i32
    %add3A_72 = arith.constant 3128 : i32
    %add3A_73 = arith.addi %mul3A_71, %add3A_72 : i32
    "tpu.region"() ({
      %run_scoped3A = tpu.sem_alloc : memref<!tpu.dma_semaphore, #tpu.memory_space<semaphore_mem>>
      %dma_start3A = tpu.memref_slice %arg8[%add3A_73] : memref<100096xf32, #tpu.memory_space<vmem_shared>> -> memref<3128xf32, #tpu.memory_space<vmem_shared>>
      %dma_start3A_77 = tpu.memref_slice %arg8[%add3A_73] : memref<100096xf32, #tpu.memory_space<vmem_shared>> -> memref<3128xf32, #tpu.memory_space<vmem_shared>>
      tpu.enqueue_dma source(%dma_start3A_77 : memref<3128xf32, #tpu.memory_space<vmem_shared>>) target(%arg7 : memref<3128xf32, #tpu.memory_space<vmem>>) target_semaphore(%run_scoped3A : memref<!tpu.dma_semaphore, #tpu.memory_space<semaphore_mem>>)
      %dma_wait3A = tpu.memref_slice %arg8[%add3A_73] : memref<100096xf32, #tpu.memory_space<vmem_shared>> -> memref<3128xf32, #tpu.memory_space<vmem_shared>>
      %dma_wait3A_78 = tpu.memref_slice %arg8[%add3A_73] : memref<100096xf32, #tpu.memory_space<vmem_shared>> -> memref<3128xf32, #tpu.memory_space<vmem_shared>>
      tpu.wait_dma2 semaphore(%run_scoped3A : memref<!tpu.dma_semaphore, #tpu.memory_space<semaphore_mem>>) src(%dma_wait3A_78 : memref<3128xf32, #tpu.memory_space<vmem_shared>>) dst(%arg7 : memref<3128xf32, #tpu.memory_space<vmem>>)
      tpu.yield
    }) : () -> ()
    %mul3A_74 = arith.constant 100096 : i32
    %mul3A_75 = arith.muli %arg0, %mul3A_74 : i32
    %add3A_76 = arith.addi %mul3A_75, %add3A_73 : i32
    "tpu.region"() ({
      %run_scoped3A = tpu.sem_alloc : memref<!tpu.dma_semaphore, #tpu.memory_space<semaphore_mem>>
      %dma_start3A = tpu.memref_slice %arg4[%add3A_76] : memref<200192xf32, #tpu.memory_space<hbm>> -> memref<3128xf32, #tpu.memory_space<hbm>>
      %dma_start3A_77 = tpu.memref_slice %arg4[%add3A_76] : memref<200192xf32, #tpu.memory_space<hbm>> -> memref<3128xf32, #tpu.memory_space<hbm>>
      tpu.enqueue_dma source(%arg7 : memref<3128xf32, #tpu.memory_space<vmem>>) target(%dma_start3A_77 : memref<3128xf32, #tpu.memory_space<hbm>>) target_semaphore(%run_scoped3A : memref<!tpu.dma_semaphore, #tpu.memory_space<semaphore_mem>>)
      %dma_wait3A = tpu.memref_slice %arg4[%add3A_76] : memref<200192xf32, #tpu.memory_space<hbm>> -> memref<3128xf32, #tpu.memory_space<hbm>>
      %dma_wait3A_78 = tpu.memref_slice %arg4[%add3A_76] : memref<200192xf32, #tpu.memory_space<hbm>> -> memref<3128xf32, #tpu.memory_space<hbm>>
      tpu.wait_dma2 semaphore(%run_scoped3A : memref<!tpu.dma_semaphore, #tpu.memory_space<semaphore_mem>>) src(%arg7 : memref<3128xf32, #tpu.memory_space<vmem>>) dst(%dma_wait3A_78 : memref<3128xf32, #tpu.memory_space<hbm>>)
      tpu.yield
    }) : () -> ()
    return
  }
}

#map = affine_map<(d0, d1) -> (0, 0, 0)>
#map1 = affine_map<(d0, d1) -> (0, 0)>
module attributes {stable_mosaic.version = 14 : i64} {
  func.func @agg(%arg0: i32, %arg1: i32, %arg2: memref<2x12544x128xi32, #tpu.memory_space<hbm>>, %arg3: memref<12544x128xi32, #tpu.memory_space<hbm>>, %arg4: memref<200000x16xf32, #tpu.memory_space<hbm>>, %arg5: memref<391x16xf32, #tpu.memory_space<hbm>>, %arg6: memref<2x100096x16xf32, #tpu.memory_space<hbm>>, %arg7: memref<56x128xi32, #tpu.memory_space<vmem>>, %arg8: memref<56x128xi32, #tpu.memory_space<vmem>>, %arg9: memref<128x16xf32, #tpu.memory_space<vmem>>, %arg10: memref<128x16xf32, #tpu.memory_space<vmem>>, %arg11: memref<391x16xf32, #tpu.memory_space<vmem>>, %arg12: memref<100096x16xf32, #tpu.memory_space<vmem_shared>>, %arg13: memref<!tpu.dma_semaphore, #tpu.memory_space<semaphore_mem>>, %arg14: memref<!tpu.dma_semaphore, #tpu.memory_space<semaphore_mem>>) attributes {dimension_semantics = [#tpu.dimension_semantics<core_parallel>, #tpu.dimension_semantics<subcore_parallel>], iteration_bounds = array<i64: 2, 16>, scalar_prefetch = 0 : i64, scratch_operands = 8 : i64, tpu.core_type = #tpu.core_type<sc_vector_subcore>, window_params = [{transform_indices = #map}, {transform_indices = #map1}, {transform_indices = #map1}, {transform_indices = #map1}, {transform_indices = #map}]} {
    "tpu.region"() ({
      %run_scoped3A = tpu.sem_alloc : memref<!tpu.dma_semaphore, #tpu.memory_space<semaphore_mem>>
      tpu.enqueue_dma source(%arg5 : memref<391x16xf32, #tpu.memory_space<hbm>>) target(%arg11 : memref<391x16xf32, #tpu.memory_space<vmem>>) target_semaphore(%run_scoped3A : memref<!tpu.dma_semaphore, #tpu.memory_space<semaphore_mem>>)
      tpu.wait_dma2 semaphore(%run_scoped3A : memref<!tpu.dma_semaphore, #tpu.memory_space<semaphore_mem>>) src(%arg5 : memref<391x16xf32, #tpu.memory_space<hbm>>) dst(%arg11 : memref<391x16xf32, #tpu.memory_space<vmem>>)
      tpu.yield
    }) : () -> ()
    %scan3A = arith.constant 0 : i32
    %scan3A_0 = arith.constant 0 : i32
    %scan3A_1 = arith.constant 16 : i32
    %scan3A_2 = arith.addi %scan3A_0, %scan3A_1 : i32
    %scan3A_3 = arith.constant 1 : i32
    scf.for %scan3A_22 = %scan3A_0 to %scan3A_2 step %scan3A_3  : i32 {
      %mul3A_23 = arith.constant 6256 : i32
      %mul3A_24 = arith.muli %arg1, %mul3A_23 : i32
      %mul3A_25 = arith.constant 391 : i32
      %mul3A_26 = arith.muli %scan3A_22, %mul3A_25 : i32
      %add3A_27 = arith.addi %mul3A_24, %mul3A_26 : i32
      "tpu.region"() ({
        %run_scoped3A = tpu.sem_alloc : memref<!tpu.dma_semaphore, #tpu.memory_space<semaphore_mem>>
        %dma_start3A = arith.constant 0 : i32
        %dma_start3A_28 = tpu.memref_slice %arg12[%add3A_27, %dma_start3A] : memref<100096x16xf32, #tpu.memory_space<vmem_shared>> -> memref<391x16xf32, #tpu.memory_space<vmem_shared>>
        %dma_start3A_29 = arith.constant 0 : i32
        %dma_start3A_30 = tpu.memref_slice %arg12[%add3A_27, %dma_start3A_29] : memref<100096x16xf32, #tpu.memory_space<vmem_shared>> -> memref<391x16xf32, #tpu.memory_space<vmem_shared>>
        tpu.enqueue_dma source(%arg11 : memref<391x16xf32, #tpu.memory_space<vmem>>) target(%dma_start3A_30 : memref<391x16xf32, #tpu.memory_space<vmem_shared>>) target_semaphore(%run_scoped3A : memref<!tpu.dma_semaphore, #tpu.memory_space<semaphore_mem>>)
        %dma_wait3A = arith.constant 0 : i32
        %dma_wait3A_31 = tpu.memref_slice %arg12[%add3A_27, %dma_wait3A] : memref<100096x16xf32, #tpu.memory_space<vmem_shared>> -> memref<391x16xf32, #tpu.memory_space<vmem_shared>>
        %dma_wait3A_32 = arith.constant 0 : i32
        %dma_wait3A_33 = tpu.memref_slice %arg12[%add3A_27, %dma_wait3A_32] : memref<100096x16xf32, #tpu.memory_space<vmem_shared>> -> memref<391x16xf32, #tpu.memory_space<vmem_shared>>
        tpu.wait_dma2 semaphore(%run_scoped3A : memref<!tpu.dma_semaphore, #tpu.memory_space<semaphore_mem>>) src(%arg11 : memref<391x16xf32, #tpu.memory_space<vmem>>) dst(%dma_wait3A_33 : memref<391x16xf32, #tpu.memory_space<vmem_shared>>)
        tpu.yield
      }) : () -> ()
    }
    %scan3A_4 = arith.constant 16 : i32
    %barrier3A = arith.constant 0 : index
    tpu.barrier barrier_id(%barrier3A)
    %mul3A = arith.constant 1 : i32
    %mul3A_5 = arith.muli %mul3A, %arg0 : i32
    %add3A = arith.constant 0 : i32
    %add3A_6 = arith.addi %mul3A_5, %add3A : i32
    %mul3A_7 = arith.constant 784 : i32
    %mul3A_8 = arith.muli %arg1, %mul3A_7 : i32
    %scan3A_9 = arith.constant 0 : i32
    %scan3A_10 = arith.constant 0 : i32
    %scan3A_11 = arith.constant 14 : i32
    %scan3A_12 = arith.addi %scan3A_10, %scan3A_11 : i32
    %scan3A_13 = arith.constant 1 : i32
    scf.for %scan3A_22 = %scan3A_10 to %scan3A_12 step %scan3A_13  : i32 {
      %mul3A_23 = arith.constant 56 : i32
      %mul3A_24 = arith.muli %scan3A_22, %mul3A_23 : i32
      %add3A_25 = arith.addi %mul3A_8, %mul3A_24 : i32
      "tpu.region"() ({
        %run_scoped3A = tpu.sem_alloc : memref<!tpu.dma_semaphore, #tpu.memory_space<semaphore_mem>>
        %dma_start3A_44 = arith.constant 0 : i32
        %dma_start3A_45 = tpu.memref_slice %arg2[%add3A_6, %add3A_25, %dma_start3A_44] : memref<2x12544x128xi32, #tpu.memory_space<hbm>> -> memref<1x56x128xi32, #tpu.memory_space<hbm>>
        %dma_start3A_46 = tpu.memref_squeeze %dma_start3A_45 : memref<1x56x128xi32, #tpu.memory_space<hbm>> -> memref<56x128xi32, #tpu.memory_space<hbm>>
        %dma_start3A_47 = arith.constant 0 : i32
        %dma_start3A_48 = tpu.memref_slice %arg2[%add3A_6, %add3A_25, %dma_start3A_47] : memref<2x12544x128xi32, #tpu.memory_space<hbm>> -> memref<1x56x128xi32, #tpu.memory_space<hbm>>
        %dma_start3A_49 = tpu.memref_squeeze %dma_start3A_48 : memref<1x56x128xi32, #tpu.memory_space<hbm>> -> memref<56x128xi32, #tpu.memory_space<hbm>>
        tpu.enqueue_dma source(%dma_start3A_49 : memref<56x128xi32, #tpu.memory_space<hbm>>) target(%arg7 : memref<56x128xi32, #tpu.memory_space<vmem>>) target_semaphore(%run_scoped3A : memref<!tpu.dma_semaphore, #tpu.memory_space<semaphore_mem>>)
        %dma_wait3A_50 = arith.constant 0 : i32
        %dma_wait3A_51 = tpu.memref_slice %arg2[%add3A_6, %add3A_25, %dma_wait3A_50] : memref<2x12544x128xi32, #tpu.memory_space<hbm>> -> memref<1x56x128xi32, #tpu.memory_space<hbm>>
        %dma_wait3A_52 = tpu.memref_squeeze %dma_wait3A_51 : memref<1x56x128xi32, #tpu.memory_space<hbm>> -> memref<56x128xi32, #tpu.memory_space<hbm>>
        %dma_wait3A_53 = arith.constant 0 : i32
        %dma_wait3A_54 = tpu.memref_slice %arg2[%add3A_6, %add3A_25, %dma_wait3A_53] : memref<2x12544x128xi32, #tpu.memory_space<hbm>> -> memref<1x56x128xi32, #tpu.memory_space<hbm>>
        %dma_wait3A_55 = tpu.memref_squeeze %dma_wait3A_54 : memref<1x56x128xi32, #tpu.memory_space<hbm>> -> memref<56x128xi32, #tpu.memory_space<hbm>>
        tpu.wait_dma2 semaphore(%run_scoped3A : memref<!tpu.dma_semaphore, #tpu.memory_space<semaphore_mem>>) src(%dma_wait3A_55 : memref<56x128xi32, #tpu.memory_space<hbm>>) dst(%arg7 : memref<56x128xi32, #tpu.memory_space<vmem>>)
        tpu.yield
      }) : () -> ()
      "tpu.region"() ({
        %run_scoped3A = tpu.sem_alloc : memref<!tpu.dma_semaphore, #tpu.memory_space<semaphore_mem>>
        %dma_start3A_44 = arith.constant 0 : i32
        %dma_start3A_45 = tpu.memref_slice %arg3[%add3A_25, %dma_start3A_44] : memref<12544x128xi32, #tpu.memory_space<hbm>> -> memref<56x128xi32, #tpu.memory_space<hbm>>
        %dma_start3A_46 = arith.constant 0 : i32
        %dma_start3A_47 = tpu.memref_slice %arg3[%add3A_25, %dma_start3A_46] : memref<12544x128xi32, #tpu.memory_space<hbm>> -> memref<56x128xi32, #tpu.memory_space<hbm>>
        tpu.enqueue_dma source(%dma_start3A_47 : memref<56x128xi32, #tpu.memory_space<hbm>>) target(%arg8 : memref<56x128xi32, #tpu.memory_space<vmem>>) target_semaphore(%run_scoped3A : memref<!tpu.dma_semaphore, #tpu.memory_space<semaphore_mem>>)
        %dma_wait3A_48 = arith.constant 0 : i32
        %dma_wait3A_49 = tpu.memref_slice %arg3[%add3A_25, %dma_wait3A_48] : memref<12544x128xi32, #tpu.memory_space<hbm>> -> memref<56x128xi32, #tpu.memory_space<hbm>>
        %dma_wait3A_50 = arith.constant 0 : i32
        %dma_wait3A_51 = tpu.memref_slice %arg3[%add3A_25, %dma_wait3A_50] : memref<12544x128xi32, #tpu.memory_space<hbm>> -> memref<56x128xi32, #tpu.memory_space<hbm>>
        tpu.wait_dma2 semaphore(%run_scoped3A : memref<!tpu.dma_semaphore, #tpu.memory_space<semaphore_mem>>) src(%dma_wait3A_51 : memref<56x128xi32, #tpu.memory_space<hbm>>) dst(%arg8 : memref<56x128xi32, #tpu.memory_space<vmem>>)
        tpu.yield
      }) : () -> ()
      %dma_start3A = arith.constant 0 : i32
      %dma_start3A_26 = arith.constant 0 : i32
      %dma_start3A_27 = tpu.memref_slice %arg7[%dma_start3A, %dma_start3A_26] : memref<56x128xi32, #tpu.memory_space<vmem>> -> memref<1x128xi32, #tpu.memory_space<vmem>>
      %dma_start3A_28 = tpu.memref_squeeze %dma_start3A_27 : memref<1x128xi32, #tpu.memory_space<vmem>> -> memref<128xi32, #tpu.memory_space<vmem>>
      %dma_start3A_29 = arith.constant 0 : i32
      %dma_start3A_30 = arith.constant 0 : i32
      %dma_start3A_31 = tpu.memref_slice %arg4[%dma_start3A_29, %dma_start3A_30] : memref<200000x16xf32, #tpu.memory_space<hbm>> -> memref<200000x16xf32, #tpu.memory_space<hbm>>
      tpu.enqueue_indirect_dma source(%dma_start3A_31 : memref<200000x16xf32, #tpu.memory_space<hbm>>) target(%arg9 : memref<128x16xf32, #tpu.memory_space<vmem>>) offsets(%dma_start3A_28 : memref<128xi32, #tpu.memory_space<vmem>>) semaphore(%arg13 : memref<!tpu.dma_semaphore, #tpu.memory_space<semaphore_mem>>)
      %scan3A_32 = arith.constant 0 : i32
      %scan3A_33 = arith.constant 0 : i32
      %scan3A_34 = arith.constant 28 : i32
      %scan3A_35 = arith.addi %scan3A_33, %scan3A_34 : i32
      %scan3A_36 = arith.constant 1 : i32
      scf.for %scan3A_44 = %scan3A_33 to %scan3A_35 step %scan3A_36  : i32 {
        %mul3A_45 = arith.constant 2 : i32
        %mul3A_46 = arith.muli %mul3A_45, %scan3A_44 : i32
        %add3A_47 = arith.constant 1 : i32
        %add3A_48 = arith.addi %mul3A_46, %add3A_47 : i32
        %dma_start3A_49 = arith.constant 0 : i32
        %dma_start3A_50 = tpu.memref_slice %arg7[%add3A_48, %dma_start3A_49] : memref<56x128xi32, #tpu.memory_space<vmem>> -> memref<1x128xi32, #tpu.memory_space<vmem>>
        %dma_start3A_51 = tpu.memref_squeeze %dma_start3A_50 : memref<1x128xi32, #tpu.memory_space<vmem>> -> memref<128xi32, #tpu.memory_space<vmem>>
        %dma_start3A_52 = arith.constant 0 : i32
        %dma_start3A_53 = arith.constant 0 : i32
        %dma_start3A_54 = tpu.memref_slice %arg4[%dma_start3A_52, %dma_start3A_53] : memref<200000x16xf32, #tpu.memory_space<hbm>> -> memref<200000x16xf32, #tpu.memory_space<hbm>>
        tpu.enqueue_indirect_dma source(%dma_start3A_54 : memref<200000x16xf32, #tpu.memory_space<hbm>>) target(%arg10 : memref<128x16xf32, #tpu.memory_space<vmem>>) offsets(%dma_start3A_51 : memref<128xi32, #tpu.memory_space<vmem>>) semaphore(%arg14 : memref<!tpu.dma_semaphore, #tpu.memory_space<semaphore_mem>>)
        %dma_wait3A_55 = arith.constant 0 : i32
        %dma_wait3A_56 = tpu.memref_slice %arg7[%mul3A_46, %dma_wait3A_55] : memref<56x128xi32, #tpu.memory_space<vmem>> -> memref<1x128xi32, #tpu.memory_space<vmem>>
        %dma_wait3A_57 = tpu.memref_squeeze %dma_wait3A_56 : memref<1x128xi32, #tpu.memory_space<vmem>> -> memref<128xi32, #tpu.memory_space<vmem>>
        %dma_wait3A_58 = arith.constant 0 : i32
        %dma_wait3A_59 = arith.constant 0 : i32
        %dma_wait3A_60 = tpu.memref_slice %arg4[%dma_wait3A_58, %dma_wait3A_59] : memref<200000x16xf32, #tpu.memory_space<hbm>> -> memref<200000x16xf32, #tpu.memory_space<hbm>>
        tpu.wait_indirect_dma semaphore(%arg13 : memref<!tpu.dma_semaphore, #tpu.memory_space<semaphore_mem>>) src(%dma_wait3A_60 : memref<200000x16xf32, #tpu.memory_space<hbm>>) dst(%arg9 : memref<128x16xf32, #tpu.memory_space<vmem>>)
        "tpu.region"() ({
          %run_scoped3A = tpu.sem_alloc : memref<!tpu.dma_semaphore, #tpu.memory_space<semaphore_mem>>
          %dma_start3A_80 = arith.constant 0 : i32
          %dma_start3A_81 = tpu.memref_slice %arg8[%mul3A_46, %dma_start3A_80] : memref<56x128xi32, #tpu.memory_space<vmem>> -> memref<1x128xi32, #tpu.memory_space<vmem>>
          %dma_start3A_82 = tpu.memref_squeeze %dma_start3A_81 : memref<1x128xi32, #tpu.memory_space<vmem>> -> memref<128xi32, #tpu.memory_space<vmem>>
          %dma_start3A_83 = arith.constant 0 : i32
          %dma_start3A_84 = arith.constant 0 : i32
          %dma_start3A_85 = tpu.memref_slice %arg12[%dma_start3A_83, %dma_start3A_84] : memref<100096x16xf32, #tpu.memory_space<vmem_shared>> -> memref<100096x16xf32, #tpu.memory_space<vmem_shared>>
          tpu.enqueue_indirect_dma source(%arg9 : memref<128x16xf32, #tpu.memory_space<vmem>>) target(%dma_start3A_85 : memref<100096x16xf32, #tpu.memory_space<vmem_shared>>) offsets(%dma_start3A_82 : memref<128xi32, #tpu.memory_space<vmem>>) semaphore(%run_scoped3A : memref<!tpu.dma_semaphore, #tpu.memory_space<semaphore_mem>>) {add = true}
          %dma_wait3A_86 = arith.constant 0 : i32
          %dma_wait3A_87 = tpu.memref_slice %arg8[%mul3A_46, %dma_wait3A_86] : memref<56x128xi32, #tpu.memory_space<vmem>> -> memref<1x128xi32, #tpu.memory_space<vmem>>
          %dma_wait3A_88 = tpu.memref_squeeze %dma_wait3A_87 : memref<1x128xi32, #tpu.memory_space<vmem>> -> memref<128xi32, #tpu.memory_space<vmem>>
          %dma_wait3A_89 = arith.constant 0 : i32
          %dma_wait3A_90 = arith.constant 0 : i32
          %dma_wait3A_91 = tpu.memref_slice %arg12[%dma_wait3A_89, %dma_wait3A_90] : memref<100096x16xf32, #tpu.memory_space<vmem_shared>> -> memref<100096x16xf32, #tpu.memory_space<vmem_shared>>
          tpu.wait_indirect_dma semaphore(%run_scoped3A : memref<!tpu.dma_semaphore, #tpu.memory_space<semaphore_mem>>) src(%arg9 : memref<128x16xf32, #tpu.memory_space<vmem>>) dst(%dma_wait3A_91 : memref<100096x16xf32, #tpu.memory_space<vmem_shared>>)
          tpu.yield
        }) : () -> ()
        %add3A_61 = arith.constant 2 : i32
        %add3A_62 = arith.addi %mul3A_46, %add3A_61 : i32
        %min3A = arith.constant 55 : i32
        %min3A_63 = arith.minsi %add3A_62, %min3A : i32
        %dma_start3A_64 = arith.constant 0 : i32
        %dma_start3A_65 = tpu.memref_slice %arg7[%min3A_63, %dma_start3A_64] : memref<56x128xi32, #tpu.memory_space<vmem>> -> memref<1x128xi32, #tpu.memory_space<vmem>>
        %dma_start3A_66 = tpu.memref_squeeze %dma_start3A_65 : memref<1x128xi32, #tpu.memory_space<vmem>> -> memref<128xi32, #tpu.memory_space<vmem>>
        %dma_start3A_67 = arith.constant 0 : i32
        %dma_start3A_68 = arith.constant 0 : i32
        %dma_start3A_69 = tpu.memref_slice %arg4[%dma_start3A_67, %dma_start3A_68] : memref<200000x16xf32, #tpu.memory_space<hbm>> -> memref<200000x16xf32, #tpu.memory_space<hbm>>
        tpu.enqueue_indirect_dma source(%dma_start3A_69 : memref<200000x16xf32, #tpu.memory_space<hbm>>) target(%arg9 : memref<128x16xf32, #tpu.memory_space<vmem>>) offsets(%dma_start3A_66 : memref<128xi32, #tpu.memory_space<vmem>>) semaphore(%arg13 : memref<!tpu.dma_semaphore, #tpu.memory_space<semaphore_mem>>)
        %add3A_70 = arith.constant 1 : i32
        %add3A_71 = arith.addi %mul3A_46, %add3A_70 : i32
        %dma_wait3A_72 = arith.constant 0 : i32
        %dma_wait3A_73 = tpu.memref_slice %arg7[%add3A_71, %dma_wait3A_72] : memref<56x128xi32, #tpu.memory_space<vmem>> -> memref<1x128xi32, #tpu.memory_space<vmem>>
        %dma_wait3A_74 = tpu.memref_squeeze %dma_wait3A_73 : memref<1x128xi32, #tpu.memory_space<vmem>> -> memref<128xi32, #tpu.memory_space<vmem>>
        %dma_wait3A_75 = arith.constant 0 : i32
        %dma_wait3A_76 = arith.constant 0 : i32
        %dma_wait3A_77 = tpu.memref_slice %arg4[%dma_wait3A_75, %dma_wait3A_76] : memref<200000x16xf32, #tpu.memory_space<hbm>> -> memref<200000x16xf32, #tpu.memory_space<hbm>>
        tpu.wait_indirect_dma semaphore(%arg14 : memref<!tpu.dma_semaphore, #tpu.memory_space<semaphore_mem>>) src(%dma_wait3A_77 : memref<200000x16xf32, #tpu.memory_space<hbm>>) dst(%arg10 : memref<128x16xf32, #tpu.memory_space<vmem>>)
        %add3A_78 = arith.constant 1 : i32
        %add3A_79 = arith.addi %mul3A_46, %add3A_78 : i32
        "tpu.region"() ({
          %run_scoped3A = tpu.sem_alloc : memref<!tpu.dma_semaphore, #tpu.memory_space<semaphore_mem>>
          %dma_start3A_80 = arith.constant 0 : i32
          %dma_start3A_81 = tpu.memref_slice %arg8[%add3A_79, %dma_start3A_80] : memref<56x128xi32, #tpu.memory_space<vmem>> -> memref<1x128xi32, #tpu.memory_space<vmem>>
          %dma_start3A_82 = tpu.memref_squeeze %dma_start3A_81 : memref<1x128xi32, #tpu.memory_space<vmem>> -> memref<128xi32, #tpu.memory_space<vmem>>
          %dma_start3A_83 = arith.constant 0 : i32
          %dma_start3A_84 = arith.constant 0 : i32
          %dma_start3A_85 = tpu.memref_slice %arg12[%dma_start3A_83, %dma_start3A_84] : memref<100096x16xf32, #tpu.memory_space<vmem_shared>> -> memref<100096x16xf32, #tpu.memory_space<vmem_shared>>
          tpu.enqueue_indirect_dma source(%arg10 : memref<128x16xf32, #tpu.memory_space<vmem>>) target(%dma_start3A_85 : memref<100096x16xf32, #tpu.memory_space<vmem_shared>>) offsets(%dma_start3A_82 : memref<128xi32, #tpu.memory_space<vmem>>) semaphore(%run_scoped3A : memref<!tpu.dma_semaphore, #tpu.memory_space<semaphore_mem>>) {add = true}
          %dma_wait3A_86 = arith.constant 0 : i32
          %dma_wait3A_87 = tpu.memref_slice %arg8[%add3A_79, %dma_wait3A_86] : memref<56x128xi32, #tpu.memory_space<vmem>> -> memref<1x128xi32, #tpu.memory_space<vmem>>
          %dma_wait3A_88 = tpu.memref_squeeze %dma_wait3A_87 : memref<1x128xi32, #tpu.memory_space<vmem>> -> memref<128xi32, #tpu.memory_space<vmem>>
          %dma_wait3A_89 = arith.constant 0 : i32
          %dma_wait3A_90 = arith.constant 0 : i32
          %dma_wait3A_91 = tpu.memref_slice %arg12[%dma_wait3A_89, %dma_wait3A_90] : memref<100096x16xf32, #tpu.memory_space<vmem_shared>> -> memref<100096x16xf32, #tpu.memory_space<vmem_shared>>
          tpu.wait_indirect_dma semaphore(%run_scoped3A : memref<!tpu.dma_semaphore, #tpu.memory_space<semaphore_mem>>) src(%arg10 : memref<128x16xf32, #tpu.memory_space<vmem>>) dst(%dma_wait3A_91 : memref<100096x16xf32, #tpu.memory_space<vmem_shared>>)
          tpu.yield
        }) : () -> ()
      }
      %scan3A_37 = arith.constant 28 : i32
      %dma_wait3A = arith.constant 55 : i32
      %dma_wait3A_38 = arith.constant 0 : i32
      %dma_wait3A_39 = tpu.memref_slice %arg7[%dma_wait3A, %dma_wait3A_38] : memref<56x128xi32, #tpu.memory_space<vmem>> -> memref<1x128xi32, #tpu.memory_space<vmem>>
      %dma_wait3A_40 = tpu.memref_squeeze %dma_wait3A_39 : memref<1x128xi32, #tpu.memory_space<vmem>> -> memref<128xi32, #tpu.memory_space<vmem>>
      %dma_wait3A_41 = arith.constant 0 : i32
      %dma_wait3A_42 = arith.constant 0 : i32
      %dma_wait3A_43 = tpu.memref_slice %arg4[%dma_wait3A_41, %dma_wait3A_42] : memref<200000x16xf32, #tpu.memory_space<hbm>> -> memref<200000x16xf32, #tpu.memory_space<hbm>>
      tpu.wait_indirect_dma semaphore(%arg13 : memref<!tpu.dma_semaphore, #tpu.memory_space<semaphore_mem>>) src(%dma_wait3A_43 : memref<200000x16xf32, #tpu.memory_space<hbm>>) dst(%arg9 : memref<128x16xf32, #tpu.memory_space<vmem>>)
    }
    %scan3A_14 = arith.constant 14 : i32
    %barrier3A_15 = arith.constant 0 : index
    tpu.barrier barrier_id(%barrier3A_15)
    %scan3A_16 = arith.constant 0 : i32
    %scan3A_17 = arith.constant 0 : i32
    %scan3A_18 = arith.constant 16 : i32
    %scan3A_19 = arith.addi %scan3A_17, %scan3A_18 : i32
    %scan3A_20 = arith.constant 1 : i32
    scf.for %scan3A_22 = %scan3A_17 to %scan3A_19 step %scan3A_20  : i32 {
      %mul3A_23 = arith.constant 6256 : i32
      %mul3A_24 = arith.muli %arg1, %mul3A_23 : i32
      %mul3A_25 = arith.constant 391 : i32
      %mul3A_26 = arith.muli %scan3A_22, %mul3A_25 : i32
      %add3A_27 = arith.addi %mul3A_24, %mul3A_26 : i32
      "tpu.region"() ({
        %run_scoped3A = tpu.sem_alloc : memref<!tpu.dma_semaphore, #tpu.memory_space<semaphore_mem>>
        %dma_start3A = arith.constant 0 : i32
        %dma_start3A_28 = tpu.memref_slice %arg12[%add3A_27, %dma_start3A] : memref<100096x16xf32, #tpu.memory_space<vmem_shared>> -> memref<391x16xf32, #tpu.memory_space<vmem_shared>>
        %dma_start3A_29 = arith.constant 0 : i32
        %dma_start3A_30 = tpu.memref_slice %arg12[%add3A_27, %dma_start3A_29] : memref<100096x16xf32, #tpu.memory_space<vmem_shared>> -> memref<391x16xf32, #tpu.memory_space<vmem_shared>>
        tpu.enqueue_dma source(%dma_start3A_30 : memref<391x16xf32, #tpu.memory_space<vmem_shared>>) target(%arg11 : memref<391x16xf32, #tpu.memory_space<vmem>>) target_semaphore(%run_scoped3A : memref<!tpu.dma_semaphore, #tpu.memory_space<semaphore_mem>>)
        %dma_wait3A = arith.constant 0 : i32
        %dma_wait3A_31 = tpu.memref_slice %arg12[%add3A_27, %dma_wait3A] : memref<100096x16xf32, #tpu.memory_space<vmem_shared>> -> memref<391x16xf32, #tpu.memory_space<vmem_shared>>
        %dma_wait3A_32 = arith.constant 0 : i32
        %dma_wait3A_33 = tpu.memref_slice %arg12[%add3A_27, %dma_wait3A_32] : memref<100096x16xf32, #tpu.memory_space<vmem_shared>> -> memref<391x16xf32, #tpu.memory_space<vmem_shared>>
        tpu.wait_dma2 semaphore(%run_scoped3A : memref<!tpu.dma_semaphore, #tpu.memory_space<semaphore_mem>>) src(%dma_wait3A_33 : memref<391x16xf32, #tpu.memory_space<vmem_shared>>) dst(%arg11 : memref<391x16xf32, #tpu.memory_space<vmem>>)
        tpu.yield
      }) : () -> ()
      "tpu.region"() ({
        %run_scoped3A = tpu.sem_alloc : memref<!tpu.dma_semaphore, #tpu.memory_space<semaphore_mem>>
        %dma_start3A = arith.constant 0 : i32
        %dma_start3A_28 = tpu.memref_slice %arg6[%add3A_6, %add3A_27, %dma_start3A] : memref<2x100096x16xf32, #tpu.memory_space<hbm>> -> memref<1x391x16xf32, #tpu.memory_space<hbm>>
        %dma_start3A_29 = tpu.memref_squeeze %dma_start3A_28 : memref<1x391x16xf32, #tpu.memory_space<hbm>> -> memref<391x16xf32, #tpu.memory_space<hbm>>
        %dma_start3A_30 = arith.constant 0 : i32
        %dma_start3A_31 = tpu.memref_slice %arg6[%add3A_6, %add3A_27, %dma_start3A_30] : memref<2x100096x16xf32, #tpu.memory_space<hbm>> -> memref<1x391x16xf32, #tpu.memory_space<hbm>>
        %dma_start3A_32 = tpu.memref_squeeze %dma_start3A_31 : memref<1x391x16xf32, #tpu.memory_space<hbm>> -> memref<391x16xf32, #tpu.memory_space<hbm>>
        tpu.enqueue_dma source(%arg11 : memref<391x16xf32, #tpu.memory_space<vmem>>) target(%dma_start3A_32 : memref<391x16xf32, #tpu.memory_space<hbm>>) target_semaphore(%run_scoped3A : memref<!tpu.dma_semaphore, #tpu.memory_space<semaphore_mem>>)
        %dma_wait3A = arith.constant 0 : i32
        %dma_wait3A_33 = tpu.memref_slice %arg6[%add3A_6, %add3A_27, %dma_wait3A] : memref<2x100096x16xf32, #tpu.memory_space<hbm>> -> memref<1x391x16xf32, #tpu.memory_space<hbm>>
        %dma_wait3A_34 = tpu.memref_squeeze %dma_wait3A_33 : memref<1x391x16xf32, #tpu.memory_space<hbm>> -> memref<391x16xf32, #tpu.memory_space<hbm>>
        %dma_wait3A_35 = arith.constant 0 : i32
        %dma_wait3A_36 = tpu.memref_slice %arg6[%add3A_6, %add3A_27, %dma_wait3A_35] : memref<2x100096x16xf32, #tpu.memory_space<hbm>> -> memref<1x391x16xf32, #tpu.memory_space<hbm>>
        %dma_wait3A_37 = tpu.memref_squeeze %dma_wait3A_36 : memref<1x391x16xf32, #tpu.memory_space<hbm>> -> memref<391x16xf32, #tpu.memory_space<hbm>>
        tpu.wait_dma2 semaphore(%run_scoped3A : memref<!tpu.dma_semaphore, #tpu.memory_space<semaphore_mem>>) src(%arg11 : memref<391x16xf32, #tpu.memory_space<vmem>>) dst(%dma_wait3A_37 : memref<391x16xf32, #tpu.memory_space<hbm>>)
        tpu.yield
      }) : () -> ()
    }
    %scan3A_21 = arith.constant 16 : i32
    return
  }
}

module attributes {stable_mosaic.version = 14 : i64} {
  func.func @_tc_pre_body(%arg0: i32, %arg1: memref<1000x1xf32, #tpu.memory_space<vmem>>, %arg2: memref<1000x1xf32, #tpu.memory_space<vmem>>, %arg3: memref<1000x3xf32, #tpu.memory_space<vmem>>, %arg4: memref<1000x1xf32, #tpu.memory_space<vmem>>, %arg5: memref<1000x8xf32, #tpu.memory_space<vmem>>) attributes {dimension_semantics = [#tpu.dimension_semantics<arbitrary>], iteration_bounds = array<i64: 100>, scalar_prefetch = 0 : i64, scratch_operands = 0 : i64, tpu.core_type = #tpu.core_type<tc>, window_params = [{transform_indices = @transform_0, window_bounds = array<i64: 1000, 1>}, {transform_indices = @transform_1, window_bounds = array<i64: 1000, 1>}, {transform_indices = @transform_2, window_bounds = array<i64: 1000, 3>}, {transform_indices = @transform_3, window_bounds = array<i64: 1000, 1>}, {transform_indices = @transform_4, window_bounds = array<i64: 1000, 8>}]} {
    %get3A = arith.constant 0 : index
    %get3A_0 = arith.constant 0 : index
    %get3A_1 = vector.load %arg1[%get3A, %get3A_0] : memref<1000x1xf32, #tpu.memory_space<vmem>>, vector<1000x1xf32>
    %get3A_2 = arith.constant 0 : index
    %get3A_3 = arith.constant 0 : index
    %get3A_4 = vector.load %arg2[%get3A_2, %get3A_3] : memref<1000x1xf32, #tpu.memory_space<vmem>>, vector<1000x1xf32>
    %add3A = arith.addf %get3A_1, %get3A_4 : vector<1000x1xf32>
    %add3A_5 = arith.constant 1.000000e+00 : f32
    %add3A_6 = vector.broadcast %add3A_5 : f32 to vector<1000x1xf32>
    %add3A_7 = arith.addf %add3A, %add3A_6 : vector<1000x1xf32>
    %rsqrt3A = math.rsqrt %add3A_7 : vector<1000x1xf32>
    %swap3A = arith.constant 0 : index
    %swap3A_8 = arith.constant 0 : index
    %swap3A_9 = vector.load %arg4[%swap3A, %swap3A_8] : memref<1000x1xf32, #tpu.memory_space<vmem>>, vector<1000x1xf32>
    tpu.vector_store %arg4[%swap3A, %swap3A_8], %rsqrt3A {strides = array<i32>} : memref<1000x1xf32, #tpu.memory_space<vmem>>, vector<1000x1xf32>,
    %get3A_10 = arith.constant 0 : index
    %get3A_11 = arith.constant 0 : index
    %get3A_12 = vector.load %arg3[%get3A_10, %get3A_11] : memref<1000x3xf32, #tpu.memory_space<vmem>>, vector<1000x3xf32>
    %mul3A = vector.broadcast %rsqrt3A : vector<1000x1xf32> to vector<1000x3xf32>
    %mul3A_13 = arith.mulf %mul3A, %get3A_12 : vector<1000x3xf32>
    %broadcast_in_dim3A = arith.constant 0.000000e+00 : f32
    %broadcast_in_dim3A_14 = vector.broadcast %broadcast_in_dim3A : f32 to vector<1000x5xf32>
    %concatenate3A = tpu.concatenate %mul3A_13, %broadcast_in_dim3A_14 in 1 : vector<1000x3xf32>, vector<1000x5xf32> -> vector<1000x8xf32>
    %swap3A_15 = arith.constant 0 : index
    %swap3A_16 = arith.constant 0 : index
    %swap3A_17 = vector.load %arg5[%swap3A_15, %swap3A_16] : memref<1000x8xf32, #tpu.memory_space<vmem>>, vector<1000x8xf32>
    tpu.vector_store %arg5[%swap3A_15, %swap3A_16], %concatenate3A {strides = array<i32>} : memref<1000x8xf32, #tpu.memory_space<vmem>>, vector<1000x8xf32>,
    return
  }
  func.func @transform_0(%arg0: i32) -> (i32, i32) {
    %c0_i32 = arith.constant 0 : i32
    %c0_i32_0 = arith.constant 0 : i32
    return %arg0, %c0_i32 : i32, i32
  }
  func.func @transform_1(%arg0: i32) -> (i32, i32) {
    %c0_i32 = arith.constant 0 : i32
    %c0_i32_0 = arith.constant 0 : i32
    return %arg0, %c0_i32 : i32, i32
  }
  func.func @transform_2(%arg0: i32) -> (i32, i32) {
    %c0_i32 = arith.constant 0 : i32
    %c0_i32_0 = arith.constant 0 : i32
    return %arg0, %c0_i32 : i32, i32
  }
  func.func @transform_3(%arg0: i32) -> (i32, i32) {
    %c0_i32 = arith.constant 0 : i32
    %c0_i32_0 = arith.constant 0 : i32
    return %arg0, %c0_i32 : i32, i32
  }
  func.func @transform_4(%arg0: i32) -> (i32, i32) {
    %c0_i32 = arith.constant 0 : i32
    %c0_i32_0 = arith.constant 0 : i32
    return %arg0, %c0_i32 : i32, i32
  }
}

module attributes {stable_mosaic.version = 14 : i64} {
  func.func @_tc_mid_body(%arg0: i32, %arg1: memref<1000x8xf32, #tpu.memory_space<vmem>>, %arg2: memref<1000x8xf32, #tpu.memory_space<vmem>>, %arg3: memref<1000x8xf32, #tpu.memory_space<vmem>>, %arg4: memref<1000x1xf32, #tpu.memory_space<vmem>>, %arg5: memref<3x64xf32, #tpu.memory_space<vmem>>, %arg6: memref<64xf32, #tpu.memory_space<vmem>>, %arg7: memref<64x32xf32, #tpu.memory_space<vmem>>, %arg8: memref<2x1000x16xf32, #tpu.memory_space<vmem>>) attributes {dimension_semantics = [#tpu.dimension_semantics<arbitrary>], iteration_bounds = array<i64: 100>, scalar_prefetch = 0 : i64, scratch_operands = 0 : i64, tpu.core_type = #tpu.core_type<tc>, window_params = [{transform_indices = @transform_0, window_bounds = array<i64: 1000, 8>}, {transform_indices = @transform_1, window_bounds = array<i64: 1000, 8>}, {transform_indices = @transform_2, window_bounds = array<i64: 1000, 8>}, {transform_indices = @transform_3, window_bounds = array<i64: 1000, 1>}, {pipeline_mode = #tpu.pipeline_mode<synchronous>, transform_indices = @transform_4, window_bounds = array<i64: 3, 64>}, {pipeline_mode = #tpu.pipeline_mode<synchronous>, transform_indices = @transform_5, window_bounds = array<i64: 64>}, {pipeline_mode = #tpu.pipeline_mode<synchronous>, transform_indices = @transform_6, window_bounds = array<i64: 64, 32>}, {transform_indices = @transform_7, window_bounds = array<i64: 2, 1000, 16>}]} {
    %get3A = arith.constant 0 : index
    %get3A_0 = arith.constant 0 : index
    %get3A_1 = vector.load %arg1[%get3A, %get3A_0] : memref<1000x8xf32, #tpu.memory_space<vmem>>, vector<1000x8xf32>
    %get3A_2 = arith.constant 0 : index
    %get3A_3 = arith.constant 0 : index
    %get3A_4 = vector.load %arg2[%get3A_2, %get3A_3] : memref<1000x8xf32, #tpu.memory_space<vmem>>, vector<1000x8xf32>
    %add3A = arith.addf %get3A_1, %get3A_4 : vector<1000x8xf32>
    %get3A_5 = arith.constant 0 : index
    %get3A_6 = arith.constant 0 : index
    %get3A_7 = vector.load %arg3[%get3A_5, %get3A_6] : memref<1000x8xf32, #tpu.memory_space<vmem>>, vector<1000x8xf32>
    %add3A_8 = arith.addf %add3A, %get3A_7 : vector<1000x8xf32>
    %get3A_9 = arith.constant 0 : index
    %get3A_10 = arith.constant 0 : index
    %get3A_11 = vector.load %arg4[%get3A_9, %get3A_10] : memref<1000x1xf32, #tpu.memory_space<vmem>>, vector<1000x1xf32>
    %mul3A = vector.broadcast %get3A_11 : vector<1000x1xf32> to vector<1000x8xf32>
    %mul3A_12 = arith.mulf %mul3A, %add3A_8 : vector<1000x8xf32>
    %slice3A = vector.extract_strided_slice %mul3A_12 {offsets = [0, 0], sizes = [1000, 3], strides = [1, 1]} : vector<1000x8xf32> to vector<1000x3xf32>
    %get3A_13 = arith.constant 0 : index
    %get3A_14 = arith.constant 0 : index
    %get3A_15 = vector.load %arg5[%get3A_13, %get3A_14] : memref<3x64xf32, #tpu.memory_space<vmem>>, vector<3x64xf32>
    %dot_general3A = arith.constant dense<0.000000e+00> : vector<1000x64xf32>
    %dot_general3A_16 = tpu.matmul %slice3A, %get3A_15, %dot_general3A {dimension_numbers = #tpu.dot_dimension_numbers<[1], [0], [0], [1], [0, 0, 1, 1], [], []>, precision = #tpu.contract_precision<fp32>, transpose_lhs_hint = false} : vector<1000x3xf32>, vector<3x64xf32>, vector<1000x64xf32> -> vector<1000x64xf32>
    %get3A_17 = arith.constant 0 : index
    %get3A_18 = vector.load %arg6[%get3A_17] : memref<64xf32, #tpu.memory_space<vmem>>, vector<64xf32>
    %broadcast_in_dim3A = vector.shape_cast %get3A_18 : vector<64xf32> to vector<1x64xf32>
    %add3A_19 = vector.broadcast %broadcast_in_dim3A : vector<1x64xf32> to vector<1000x64xf32>
    %add3A_20 = arith.addf %dot_general3A_16, %add3A_19 : vector<1000x64xf32>
    %max3A = arith.constant 0.000000e+00 : f32
    %max3A_21 = vector.broadcast %max3A : f32 to vector<1000x64xf32>
    %max3A_22 = arith.maximumf %add3A_20, %max3A_21 : vector<1000x64xf32>
    %get3A_23 = arith.constant 0 : index
    %get3A_24 = arith.constant 0 : index
    %get3A_25 = vector.load %arg7[%get3A_23, %get3A_24] : memref<64x32xf32, #tpu.memory_space<vmem>>, vector<64x32xf32>
    %dot_general3A_26 = arith.constant dense<0.000000e+00> : vector<1000x32xf32>
    %dot_general3A_27 = tpu.matmul %max3A_22, %get3A_25, %dot_general3A_26 {dimension_numbers = #tpu.dot_dimension_numbers<[1], [0], [0], [1], [0, 0, 1, 1], [], []>, precision = #tpu.contract_precision<fp32>, transpose_lhs_hint = false} : vector<1000x64xf32>, vector<64x32xf32>, vector<1000x32xf32> -> vector<1000x32xf32>
    %get3A_28 = arith.constant 0 : index
    %get3A_29 = arith.constant 0 : index
    %get3A_30 = vector.load %arg4[%get3A_28, %get3A_29] : memref<1000x1xf32, #tpu.memory_space<vmem>>, vector<1000x1xf32>
    %mul3A_31 = vector.broadcast %get3A_30 : vector<1000x1xf32> to vector<1000x32xf32>
    %mul3A_32 = arith.mulf %mul3A_31, %dot_general3A_27 : vector<1000x32xf32>
    %slice3A_33 = vector.extract_strided_slice %mul3A_32 {offsets = [0, 0], sizes = [1000, 16], strides = [1, 1]} : vector<1000x32xf32> to vector<1000x16xf32>
    %swap3A = arith.constant 0 : index
    %swap3A_34 = arith.constant 0 : index
    %swap3A_35 = arith.constant 0 : index
    %swap3A_36 = vector.load %arg8[%swap3A, %swap3A_34, %swap3A_35] : memref<2x1000x16xf32, #tpu.memory_space<vmem>>, vector<1x1000x16xf32>
    %swap3A_37 = vector.shape_cast %swap3A_36 : vector<1x1000x16xf32> to vector<1000x16xf32>
    %swap3A_38 = vector.shape_cast %slice3A_33 : vector<1000x16xf32> to vector<1x1000x16xf32>
    tpu.vector_store %arg8[%swap3A, %swap3A_34, %swap3A_35], %swap3A_38 {strides = array<i32>} : memref<2x1000x16xf32, #tpu.memory_space<vmem>>, vector<1x1000x16xf32>,
    %slice3A_39 = vector.extract_strided_slice %mul3A_32 {offsets = [0, 16], sizes = [1000, 16], strides = [1, 1]} : vector<1000x32xf32> to vector<1000x16xf32>
    %swap3A_40 = arith.constant 1 : index
    %swap3A_41 = arith.constant 0 : index
    %swap3A_42 = arith.constant 0 : index
    %swap3A_43 = vector.load %arg8[%swap3A_40, %swap3A_41, %swap3A_42] : memref<2x1000x16xf32, #tpu.memory_space<vmem>>, vector<1x1000x16xf32>
    %swap3A_44 = vector.shape_cast %swap3A_43 : vector<1x1000x16xf32> to vector<1000x16xf32>
    %swap3A_45 = vector.shape_cast %slice3A_39 : vector<1000x16xf32> to vector<1x1000x16xf32>
    tpu.vector_store %arg8[%swap3A_40, %swap3A_41, %swap3A_42], %swap3A_45 {strides = array<i32>} : memref<2x1000x16xf32, #tpu.memory_space<vmem>>, vector<1x1000x16xf32>,
    return
  }
  func.func @transform_0(%arg0: i32) -> (i32, i32) {
    %c0_i32 = arith.constant 0 : i32
    %c0_i32_0 = arith.constant 0 : i32
    return %arg0, %c0_i32 : i32, i32
  }
  func.func @transform_1(%arg0: i32) -> (i32, i32) {
    %c0_i32 = arith.constant 0 : i32
    %c0_i32_0 = arith.constant 0 : i32
    return %arg0, %c0_i32 : i32, i32
  }
  func.func @transform_2(%arg0: i32) -> (i32, i32) {
    %c0_i32 = arith.constant 0 : i32
    %c0_i32_0 = arith.constant 0 : i32
    return %arg0, %c0_i32 : i32, i32
  }
  func.func @transform_3(%arg0: i32) -> (i32, i32) {
    %c0_i32 = arith.constant 0 : i32
    %c0_i32_0 = arith.constant 0 : i32
    return %arg0, %c0_i32 : i32, i32
  }
  func.func @transform_4(%arg0: i32) -> (i32, i32) {
    %c0_i32 = arith.constant 0 : i32
    %c0_i32_0 = arith.constant 0 : i32
    %c0_i32_1 = arith.constant 0 : i32
    return %c0_i32, %c0_i32_0 : i32, i32
  }
  func.func @transform_5(%arg0: i32) -> i32 {
    %c0_i32 = arith.constant 0 : i32
    %c0_i32_0 = arith.constant 0 : i32
    return %c0_i32 : i32
  }
  func.func @transform_6(%arg0: i32) -> (i32, i32) {
    %c0_i32 = arith.constant 0 : i32
    %c0_i32_0 = arith.constant 0 : i32
    %c0_i32_1 = arith.constant 0 : i32
    return %c0_i32, %c0_i32_0 : i32, i32
  }
  func.func @transform_7(%arg0: i32) -> (i32, i32, i32) {
    %c0_i32 = arith.constant 0 : i32
    %c0_i32_0 = arith.constant 0 : i32
    %c0_i32_1 = arith.constant 0 : i32
    return %c0_i32, %arg0, %c0_i32_0 : i32, i32, i32
  }
}

module attributes {stable_mosaic.version = 14 : i64} {
  func.func @_tc_head_body(%arg0: i32, %arg1: memref<2x1000x16xf32, #tpu.memory_space<vmem>>, %arg2: memref<2x1000x16xf32, #tpu.memory_space<vmem>>, %arg3: memref<1000x1xf32, #tpu.memory_space<vmem>>, %arg4: memref<32xf32, #tpu.memory_space<vmem>>, %arg5: memref<32x32xf32, #tpu.memory_space<vmem>>, %arg6: memref<32xf32, #tpu.memory_space<vmem>>, %arg7: memref<32x1xf32, #tpu.memory_space<vmem>>, %arg8: memref<1xf32, #tpu.memory_space<vmem>>, %arg9: memref<1000x1xf32, #tpu.memory_space<vmem>>) attributes {dimension_semantics = [#tpu.dimension_semantics<arbitrary>], iteration_bounds = array<i64: 100>, scalar_prefetch = 0 : i64, scratch_operands = 0 : i64, tpu.core_type = #tpu.core_type<tc>, window_params = [{transform_indices = @transform_0, window_bounds = array<i64: 2, 1000, 16>}, {transform_indices = @transform_1, window_bounds = array<i64: 2, 1000, 16>}, {transform_indices = @transform_2, window_bounds = array<i64: 1000, 1>}, {pipeline_mode = #tpu.pipeline_mode<synchronous>, transform_indices = @transform_3, window_bounds = array<i64: 32>}, {pipeline_mode = #tpu.pipeline_mode<synchronous>, transform_indices = @transform_4, window_bounds = array<i64: 32, 32>}, {pipeline_mode = #tpu.pipeline_mode<synchronous>, transform_indices = @transform_5, window_bounds = array<i64: 32>}, {pipeline_mode = #tpu.pipeline_mode<synchronous>, transform_indices = @transform_6, window_bounds = array<i64: 32, 1>}, {pipeline_mode = #tpu.pipeline_mode<synchronous>, transform_indices = @transform_7, window_bounds = array<i64: 1>}, {transform_indices = @transform_8, window_bounds = array<i64: 1000, 1>}]} {
    %get3A = arith.constant 0 : index
    %get3A_0 = arith.constant 0 : index
    %get3A_1 = arith.constant 0 : index
    %get3A_2 = vector.load %arg1[%get3A, %get3A_0, %get3A_1] : memref<2x1000x16xf32, #tpu.memory_space<vmem>>, vector<2x1000x16xf32>
    %get3A_3 = arith.constant 0 : index
    %get3A_4 = arith.constant 0 : index
    %get3A_5 = arith.constant 0 : index
    %get3A_6 = vector.load %arg2[%get3A_3, %get3A_4, %get3A_5] : memref<2x1000x16xf32, #tpu.memory_space<vmem>>, vector<2x1000x16xf32>
    %add3A = arith.addf %get3A_2, %get3A_6 : vector<2x1000x16xf32>
    %slice3A = vector.extract_strided_slice %add3A {offsets = [0, 0, 0], sizes = [1, 1000, 16], strides = [1, 1, 1]} : vector<2x1000x16xf32> to vector<1x1000x16xf32>
    %squeeze3A = vector.shape_cast %slice3A : vector<1x1000x16xf32> to vector<1000x16xf32>
    %slice3A_7 = vector.extract_strided_slice %add3A {offsets = [1, 0, 0], sizes = [1, 1000, 16], strides = [1, 1, 1]} : vector<2x1000x16xf32> to vector<1x1000x16xf32>
    %squeeze3A_8 = vector.shape_cast %slice3A_7 : vector<1x1000x16xf32> to vector<1000x16xf32>
    %concatenate3A = tpu.concatenate %squeeze3A, %squeeze3A_8 in 1 : vector<1000x16xf32>, vector<1000x16xf32> -> vector<1000x32xf32>
    %get3A_9 = arith.constant 0 : index
    %get3A_10 = arith.constant 0 : index
    %get3A_11 = vector.load %arg3[%get3A_9, %get3A_10] : memref<1000x1xf32, #tpu.memory_space<vmem>>, vector<1000x1xf32>
    %mul3A = vector.broadcast %get3A_11 : vector<1000x1xf32> to vector<1000x32xf32>
    %mul3A_12 = arith.mulf %mul3A, %concatenate3A : vector<1000x32xf32>
    %get3A_13 = arith.constant 0 : index
    %get3A_14 = vector.load %arg4[%get3A_13] : memref<32xf32, #tpu.memory_space<vmem>>, vector<32xf32>
    %broadcast_in_dim3A = vector.shape_cast %get3A_14 : vector<32xf32> to vector<1x32xf32>
    %add3A_15 = vector.broadcast %broadcast_in_dim3A : vector<1x32xf32> to vector<1000x32xf32>
    %add3A_16 = arith.addf %mul3A_12, %add3A_15 : vector<1000x32xf32>
    %get3A_17 = arith.constant 0 : index
    %get3A_18 = arith.constant 0 : index
    %get3A_19 = vector.load %arg5[%get3A_17, %get3A_18] : memref<32x32xf32, #tpu.memory_space<vmem>>, vector<32x32xf32>
    %dot_general3A = arith.constant dense<0.000000e+00> : vector<1000x32xf32>
    %dot_general3A_20 = tpu.matmul %add3A_16, %get3A_19, %dot_general3A {dimension_numbers = #tpu.dot_dimension_numbers<[1], [0], [0], [1], [0, 0, 1, 1], [], []>, precision = #tpu.contract_precision<fp32>, transpose_lhs_hint = false} : vector<1000x32xf32>, vector<32x32xf32>, vector<1000x32xf32> -> vector<1000x32xf32>
    %get3A_21 = arith.constant 0 : index
    %get3A_22 = vector.load %arg6[%get3A_21] : memref<32xf32, #tpu.memory_space<vmem>>, vector<32xf32>
    %broadcast_in_dim3A_23 = vector.shape_cast %get3A_22 : vector<32xf32> to vector<1x32xf32>
    %add3A_24 = vector.broadcast %broadcast_in_dim3A_23 : vector<1x32xf32> to vector<1000x32xf32>
    %add3A_25 = arith.addf %dot_general3A_20, %add3A_24 : vector<1000x32xf32>
    %max3A = arith.constant 0.000000e+00 : f32
    %max3A_26 = vector.broadcast %max3A : f32 to vector<1000x32xf32>
    %max3A_27 = arith.maximumf %add3A_25, %max3A_26 : vector<1000x32xf32>
    %get3A_28 = arith.constant 0 : index
    %get3A_29 = arith.constant 0 : index
    %get3A_30 = vector.load %arg7[%get3A_28, %get3A_29] : memref<32x1xf32, #tpu.memory_space<vmem>>, vector<32x1xf32>
    %dot_general3A_31 = arith.constant dense<0.000000e+00> : vector<1000x1xf32>
    %dot_general3A_32 = tpu.matmul %max3A_27, %get3A_30, %dot_general3A_31 {dimension_numbers = #tpu.dot_dimension_numbers<[1], [0], [0], [1], [0, 0, 1, 1], [], []>, precision = #tpu.contract_precision<fp32>, transpose_lhs_hint = false} : vector<1000x32xf32>, vector<32x1xf32>, vector<1000x1xf32> -> vector<1000x1xf32>
    %get3A_33 = arith.constant 0 : index
    %get3A_34 = vector.load %arg8[%get3A_33] : memref<1xf32, #tpu.memory_space<vmem>>, vector<1xf32>
    %broadcast_in_dim3A_35 = vector.shape_cast %get3A_34 : vector<1xf32> to vector<1x1xf32>
    %add3A_36 = vector.broadcast %broadcast_in_dim3A_35 : vector<1x1xf32> to vector<1000x1xf32>
    %add3A_37 = arith.addf %dot_general3A_32, %add3A_36 : vector<1000x1xf32>
    %swap3A = arith.constant 0 : index
    %swap3A_38 = arith.constant 0 : index
    %swap3A_39 = vector.load %arg9[%swap3A, %swap3A_38] : memref<1000x1xf32, #tpu.memory_space<vmem>>, vector<1000x1xf32>
    tpu.vector_store %arg9[%swap3A, %swap3A_38], %add3A_37 {strides = array<i32>} : memref<1000x1xf32, #tpu.memory_space<vmem>>, vector<1000x1xf32>,
    return
  }
  func.func @transform_0(%arg0: i32) -> (i32, i32, i32) {
    %c0_i32 = arith.constant 0 : i32
    %c0_i32_0 = arith.constant 0 : i32
    %c0_i32_1 = arith.constant 0 : i32
    return %c0_i32, %arg0, %c0_i32_0 : i32, i32, i32
  }
  func.func @transform_1(%arg0: i32) -> (i32, i32, i32) {
    %c0_i32 = arith.constant 0 : i32
    %c0_i32_0 = arith.constant 0 : i32
    %c0_i32_1 = arith.constant 0 : i32
    return %c0_i32, %arg0, %c0_i32_0 : i32, i32, i32
  }
  func.func @transform_2(%arg0: i32) -> (i32, i32) {
    %c0_i32 = arith.constant 0 : i32
    %c0_i32_0 = arith.constant 0 : i32
    return %arg0, %c0_i32 : i32, i32
  }
  func.func @transform_3(%arg0: i32) -> i32 {
    %c0_i32 = arith.constant 0 : i32
    %c0_i32_0 = arith.constant 0 : i32
    return %c0_i32 : i32
  }
  func.func @transform_4(%arg0: i32) -> (i32, i32) {
    %c0_i32 = arith.constant 0 : i32
    %c0_i32_0 = arith.constant 0 : i32
    %c0_i32_1 = arith.constant 0 : i32
    return %c0_i32, %c0_i32_0 : i32, i32
  }
  func.func @transform_5(%arg0: i32) -> i32 {
    %c0_i32 = arith.constant 0 : i32
    %c0_i32_0 = arith.constant 0 : i32
    return %c0_i32 : i32
  }
  func.func @transform_6(%arg0: i32) -> (i32, i32) {
    %c0_i32 = arith.constant 0 : i32
    %c0_i32_0 = arith.constant 0 : i32
    %c0_i32_1 = arith.constant 0 : i32
    return %c0_i32, %c0_i32_0 : i32, i32
  }
  func.func @transform_7(%arg0: i32) -> i32 {
    %c0_i32 = arith.constant 0 : i32
    %c0_i32_0 = arith.constant 0 : i32
    return %c0_i32 : i32
  }
  func.func @transform_8(%arg0: i32) -> (i32, i32) {
    %c0_i32 = arith.constant 0 : i32
    %c0_i32_0 = arith.constant 0 : i32
    return %arg0, %c0_i32 : i32, i32
  }
}

</mosaic_0001>

<sc_bundles>
// kernel: kernel.11.cloned.1.call-start
scs
__scs_entry_jumppad:
0x0: {  	(pc) =	sbr.rel $0x88, $3  }
0x1: {  	(tag) =	ssettag $0x0;
	lr =	simm.s32 $0x1  }
0x2: {  	[smem:$0x3F97] =	sst lr;
	_ =	strace $0xD0000000  }
0x3: {  	_ = 	snop  }
0x4: {  	_ = 	snop  }
0x5: {  	_ = 	snop  }
0x6: {  	_ = 	snop  }
0x7: {  	_ = 	snop  }
__scs_overlays_trampoline_lowered:
0x8: {  	[smem:$0x3FA6] =	sst s0  }
0x9: {  	[smem:$0x3FA7] =	sst s1  }
0xa: {  	[smem:$0x3FA8] =	sst s2  }
0xb: {  	[smem:$0x3FA9] =	sst s3  }
0xc: {  	[smem:$0x3FAA] =	sst s4  }
0xd: {  	[smem:$0x3FAB] =	sst s5  }
0xe: {  	[smem:$0x3FAC] =	sst s6  }
0xf: {  	[smem:$0x3FAD] =	sst s7  }
0x10: {  	[smem:$0x3FAE] =	sst s8  }
0x11: {  	[smem:$0x3FAF] =	sst s9;
	s0 =	simm.s32 @!p0 $0x0  }
0x12: {  	s1 =	sld [smem:$0x3F95];
	s0 =	simm.s32 @p0 $0x1  }
0x13: {  	[smem:$0x3FB0] =	sst s0;
	s0 =	simm.s32 @!p1 $0x0  }
0x14: {  	s2 =	sld [smem:$0x3F94];
	s0 =	simm.s32 @p1 $0x1  }
0x15: {  	[smem:$0x3FB1] =	sst s0;
	s0 =	simm.s32 @!p2 $0x0  }
0x16: {  	s3 =	sld [smem:$0x3FDB];
	s0 =	simm.s32 @p2 $0x1  }
0x17: {  	s4 =	simm.s32 $0x1BF5;
	[smem:$0x3FB3] =	sst s0  }
0x18: {  	s0 =	sld [smem:$0x3F96];
	_ =	swait.ge [sflag:s4], $0x0  }
0x19: {  	s7 =	sld [smem:$0x3F97]  }
0x1a: {  	s8 =	sadd.s32 $0xFFFFE003, lr  }
0x1b: {  	s9 =	sadd.s32 $0xFFFFFEF7, lr;
	s5 =	simm.s32 $0xFFFFFFFF;
	p2 =	slt.u32 s8, $0xFFFFF086  }
0x1c: {  	p1 =	slt.u32 s9, $0xF7A;
	s5 =	simm.s32 @!p2 $0x0  }
0x1d: {  	s5 =	simm.s32 @p1 $0x1;
	p0 =	seq.s32 s7, s2  }
0x1e: {  	s7 =	smul.u32 @!p0 $0xF7A, s2;
	p2 =	seq.s32 @!p0 s5, $0x0  }
0x1f: {  	s9 =	smul.u32 $0xF7A, s1;
	s8 =	simm.s32 @!p0 $0x1BF5;
	p2 =	por !p2, p0  }
0x20: {  	[sflag:s8] =	ssyncset.s32 @!p0 $0xFFFFF086;
	s6 =	sadd.s32 @!p0 s3, s7;
	s7 =	simm.s32 @!p0 $0x108  }
0x21: {  	s3 =	sadd.s32 s3, s9;
	s6 =	sadd.s32 @!p0 $0x88, s6;
	s7 =	simm.s32 @p2 $0x1082  }
0x22: {  	[simem:s7], [sflag:s8] =	dma.local @!p0 [hbm:s6], $0xF7A  }
0x23: {  	s9 =	sor.u32 $0xD0000000, s2;
	s6 =	simm.s32 $0x108;
	_ =	swait.ge @!p0 [sflag:s8], $0x0  }
0x24: {  	s3 =	sadd.s32 $0x88, s3;
	s6 =	simm.s32 @!p1 $0x1082;
	[sflag:s4] =	ssyncset.s32 $0xFFFFF086  }
0x25: {  	[simem:s6], [sflag:s4] =	dma.local [hbm:s3], $0xF7A  }
0x26: {  	[smem:$0x3F97] =	sst s1;
	(tag) =	ssettag s2;
	_ =	strace s9  }
0x27: {  	s1 =	sld [smem:$0x3FA7]  }
0x28: {  	s2 =	sld [smem:$0x3FA8]  }
0x29: {  	s4 =	sld [smem:$0x3FAA]  }
0x2a: {  	p0 =	seq.s32 s5, $0x0;
	s5 =	sld [smem:$0x3FAB]  }
0x2b: {  	s6 =	sld [smem:$0x3FAC]  }
0x2c: {  	s7 =	sld [smem:$0x3FAD]  }
0x2d: {  	s3 =	simm.s32 $0x108;
	s8 =	sld [smem:$0x3FAE]  }
0x2e: {  	s3 =	simm.s32 @!p0 $0x1082;
	s9 =	sld [smem:$0x3FAF]  }
0x2f: {  	lr =	sadd.s32 s0, s3;
	s0 =	sld [smem:$0x3FA6]  }
0x30: {  	s3 =	sld [smem:$0x3FA9]  }
0x31: {  	[smem:$0x3FB2] =	sst s10  }
0x32: {  	s10 =	sld [smem:$0x3FB0];
	_ =	sdelay $0x3  }
0x33: {  	p0 =	seq.s32 s10, $0x1;
	s10 =	sld [smem:$0x3FB2];
	_ =	sdelay $0x3  }
0x34: {  	[smem:$0x3FB2] =	sst s10  }
0x35: {  	s10 =	sld [smem:$0x3FB1];
	_ =	sdelay $0x3  }
0x36: {  	p1 =	seq.s32 s10, $0x1;
	s10 =	sld [smem:$0x3FB2];
	_ =	sdelay $0x3  }
0x37: {  	[smem:$0x3FB2] =	sst s10  }
0x38: {  	s10 =	sld [smem:$0x3FB3]  }
0x39: {  	_ = 	snop;
	(pc) =	sbr.ind lr, $3  }
0x3a: {  	_ = 	snop  }
0x3b: {  	_ = 	snop  }
0x3c: {  	p2 =	seq.s32 s10, $0x1;
	s10 =	sld [smem:$0x3FB2]  }
0x3d: {  	_ =	shalt  }
0x3e: {  	_ =	shalt  }
0x3f: {  	_ =	shalt  }
0x40: {  	_ =	shalt  }
0x41: {  	_ =	shalt  }
0x42: {  	_ =	shalt  }
0x43: {  	_ =	shalt  }
0x44: {  	_ =	shalt  }
0x45: {  	_ =	shalt  }
0x46: {  	_ =	shalt  }
0x47: {  	_ =	shalt  }
0x48: {  	_ =	shalt  }
0x49: {  	_ =	shalt  }
0x4a: {  	_ =	shalt  }
0x4b: {  	_ =	shalt  }
0x4c: {  	_ =	shalt  }
0x4d: {  	_ =	shalt  }
0x4e: {  	_ =	shalt  }
0x4f: {  	_ =	shalt  }
0x50: {  	_ =	shalt  }
0x51: {  	_ =	shalt  }
0x52: {  	_ =	shalt  }
0x53: {  	_ =	shalt  }
0x54: {  	_ =	shalt  }
0x55: {  	_ =	shalt  }
0x56: {  	_ =	shalt  }
0x57: {  	_ =	shalt  }
0x58: {  	_ =	shalt  }
0x59: {  	_ =	shalt  }
0x5a: {  	_ =	shalt  }
0x5b: {  	_ =	shalt  }
0x5c: {  	_ =	shalt  }
0x5d: {  	_ =	shalt  }
0x5e: {  	_ =	shalt  }
0x5f: {  	_ =	shalt  }
0x60: {  	_ =	shalt  }
0x61: {  	_ =	shalt  }
0x62: {  	_ =	shalt  }
0x63: {  	_ =	shalt  }
0x64: {  	_ =	shalt  }
0x65: {  	_ =	shalt  }
0x66: {  	_ =	shalt  }
0x67: {  	_ =	shalt  }
0x68: {  	_ =	shalt  }
0x69: {  	_ =	shalt  }
0x6a: {  	_ =	shalt  }
0x6b: {  	_ =	shalt  }
0x6c: {  	_ =	shalt  }
0x6d: {  	_ =	shalt  }
0x6e: {  	_ =	shalt  }
0x6f: {  	_ =	shalt  }
0x70: {  	_ =	shalt  }
0x71: {  	_ =	shalt  }
0x72: {  	_ =	shalt  }
0x73: {  	_ =	shalt  }
0x74: {  	_ =	shalt  }
0x75: {  	_ =	shalt  }
0x76: {  	_ =	shalt  }
0x77: {  	_ =	shalt  }
0x78: {  	_ =	shalt  }
0x79: {  	_ =	shalt  }
0x7a: {  	_ =	shalt  }
0x7b: {  	_ =	shalt  }
0x7c: {  	_ =	shalt  }
0x7d: {  	_ =	shalt  }
0x7e: {  	_ =	shalt  }
0x7f: {  	_ =	shalt  }
0x80: {  	_ =	shalt  }
0x81: {  	_ =	shalt  }
0x82: {  	_ =	shalt  }
0x83: {  	_ =	shalt  }
0x84: {  	_ =	shalt  }
0x85: {  	_ =	shalt  }
0x86: {  	_ =	shalt  }
0x87: {  	_ =	shalt  }
.Lfunc_end0:
.L_simem_size_0:
called_computation.1_lowered:
.L_overlay_start_0:
0x88: {  	s2 =	sld [smem:$0x3FD9]  }
0x89: {  	s3 =	sld [smem:$0x3FFE];
	_ =	sdelay $0x1  }
0x8a: {  	s1 =	srdreg.scid  }
0x8b: {  	s0 =	sand.u32 $0x1, s1  }
0x8c: {  	s17 =	sshll.u32 s0, $0xA;
	s2 =	sadd.s32 s3, s2  }
0x8d: {  	s2 =	sadd.s32 s2, s17  }
0x8e: {  	[smem:$0x3FBE] =	sst s2  }
0x8f: {  	_ = 	snop  }
0x90: {  	s2 =	sld [smem:$0x3FD0];
	(tm) =	ssettm $0x1  }
0x91: {  	s18 =	sld [smem:$0x3FFB];
	_ =	sdelay $0x3  }
0x92: {  	_ =	strace s18  }
0x93: {  	s3 =	sld [smem:$0x3FFC];
	_ =	sdelay $0x3  }
0x94: {  	_ =	strace s3  }
0x95: {  	s3 =	sld [smem:$0x3FFD];
	_ =	sdelay $0x3  }
0x96: {  	_ =	strace s3  }
0x97: {  	_ =	strace $0x8FFFFFFF  }
0x98: {  	s19 =	sld [smem:$0x3FDB];
	_ =	sdelay $0x1  }
0x99: {  	s4 =	simm.s32 $_scs_section_size  }
0x9a: {  	s5 =	simm.s32 $_size__tile_overlayer_lowered;
	s6 =	simm.s32 $_tile_overlayer_lowered  }
0x9b: {  	s22 =	simm.s32 $0x1BFF;
	s21 =	sshll.u32 s6, $0x1;
	s3 =	sadd.s32 s4, s19  }
0x9c: {  	s7 =	simm.s32 $0x0;
	s20 =	sshll.u32 s5, $0x1;
	s5 =	sadd.s32 s21, s3  }
0x9d: {  	[timem:s7], [sflag:s22] =	dma.local [hbm:s5], s20  }
0x9e: {  	_ =	swait.ge [sflag:s22], s20  }
0x9f: {  	s4 =	ssub.s32 $0x0, s20;
	[sflag:s22] =	ssyncset.done $0x0  }
0xa0: {  	[sflag:s22] =	ssyncadd.s32 s4;
	_ =	sdelay $0x1  }
0xa1: {  	s23 =	simm.s32 $0x1B8B  }
0xa2: {  	_ =	swait.ge [sflag:s23], $0x1  }
0xa3: {  	[sflag:s23] =	ssyncset.done $0x0  }
0xa4: {  	s25 =	simm.s32 $0x1B8E;
	s24 =	sld [smem:$0x3FFE];
	[sflag:s23] =	ssyncadd.s32 $0xFFFFFFFF  }
0xa5: {  	s26 =	simm.s32 $execute0_lowered;
	[smem:$0x3FD2] =	sst s25  }
0xa6: {  	s5 =	sshll.u32 s26, $0x1;
	_ =	strace $0x80000049;
	[dreg:$0x1] =	wrdreg $0xFFFFFFFF  }
0xa7: {  	s28 =	simm.s32 $_size_execute0_lowered;
	s3 =	sadd.s32 s3, s5;
	[dreg:$0x0] =	wrdreg $0x0  }
0xa8: {  	s5 =	sshll.u32 s28, $0x1;
	[dreg:$0x2] =	wrdreg s3  }
0xa9: {  	[dreg:$0x3] =	wrdreg s5  }
0xaa: {  	[dreg:$0x4] =	wrdreg $0xC0  }
0xab: {  	_ =	task [dreg:s7], $0x5FFFF  }
0xac: {  	[dreg:$0x1] =	wrdreg $0xFFFFFFFF  }
0xad: {  	[dreg:$0x0] =	wrdreg $0x60  }
0xae: {  	[dreg:$0x2] =	wrdreg s24  }
0xaf: {  	[dreg:$0x3] =	wrdreg s2  }
0xb0: {  	[dreg:$0x4] =	wrdreg $0x4C380  }
0xb1: {  	[dreg:$0x5] =	wrdreg $0x9  }
0xb2: {  	_ =	task.clear_ibuf [dreg:s7], $0x6FFFF;
	_ =	strace $0x90000049  }
0xb3: {  	s29 =	simm.s32 $0x9;
	_ =	strace $0x8000004B  }
0xb4: {  	_ =	swait.ge [sflag:s29], $0x1  }
0xb5: {  	[sflag:s29] =	ssyncadd.s32 $0xFFFFFFFF  }
0xb6: {  	_ =	strace $0x9000004B  }
0xb7: {  	_ =	sfence  }
0xb8: {  	s30 =	sld [smem:$0x0];
	_ =	sdelay $0x2  }
0xb9: {  	s31 =	sshll.u32 s1, $0xD;
	s1 =	sshrl.u32 s1, $0x2  }
0xba: {  	s3 =	sand.u32 $0x4000, s31;
	s1 =	sadd.s32 s1, s30  }
0xbb: {  	s0 =	sor.u32 s3, s0;
	s1 =	sshll.u32 s1, $0x11  }
0xbc: {  	s0 =	sor.u32 s1, s0  }
0xbd: {  	s0 =	sadd.s32 $0x8F2B, s0  }
0xbe: {  	[sflag:s0] =	ssyncadd.remote.s32 $0x1  }
0xbf: {  	_ =	sfence.sel $0xFFFF  }
0xc0: {  	[dreg:$0x0] =	wrdreg $0xFFFFFFFF;
	(pc) =	sbr.abs _section_cstart, $3  }
0xc1: {  	[dreg:$0x1] =	wrdreg $0xFFFFFFFF  }
0xc2: {  	_ =	task.clear_ibuf [dreg:s7], $0x2FFFF;
	_ =	strace $0x9FFFFFFF  }
0xc3: {  	(tm) =	ssettm $0x7FFFFFFF  }
tec
execute0_lowered:
.L_overlay_start_1:
0x0: {  	(tag) =	ssettag $0x1  }
0x1: {  	s0 =	rddreg [dreg:$0x0]  }
0x2: {  	s2 =	rddreg [dreg:$0x2];
	s3 =	simm.s32 $0x0;
	s1 =	srdreg.scid  }
0x3: {  	s12 =	stileid.u32;
	s28 =	simm.s32 $0x4000;
	s29 =	simm.s32 $0x3  }
0x4: {  	s30 =	simm.s32 $0x1C00;
	s1 =	sand.u32 $0x1, s1;
	s9 =	smul.u32 $0x30E00, s12  }
0x5: {  	s31 =	simm.s32 $0x80;
	s13 =	simm.s32 $0x3780;
	s4 =	smul.u32 $0x18700, s1  }
0x6: {  	s14 =	simm.s32 $0x0;
	s8 =	smul.u32 $0x1880, s1;
	s1 =	ssub.s32 $0x2, s1  }
0x7: {  	[smem:$0x7FF] =	sst s3;
	s5 =	sadd.s32 $0x1BF200, s0;
	s10 =	sshrl.u32 s1, $0x1  }
0x8: {  	s6 =	sadd.s32 $0x1600, s0;
	s15 =	sshrl.u32 s9, $0x2;
	s1 =	ssub.s32 s1, s10  }
0x9: {  	s7 =	sadd.s32 $0x32600, s0;
	s9 =	sadd.s32 s15, s2;
	s1 =	smax.u32 s1, $0x1  }
0xa: {  	_ =	strace $0x8000004A;
	s17 =	sadd.s32 $0xC38, s9;
	[dreg:$0x4] =	wrdreg s1  }
0xb: {  	s11 =	smul.u32 $0x188, s12;
	s18 =	sadd.s32 $0x1870, s9;
	[dreg:$0x5] =	wrdreg s17  }
0xc: {  	s16 =	smul.u32 $0x1870, s12;
	s19 =	sadd.s32 $0x24A8, s9;
	[dreg:$0x6] =	wrdreg s18  }
0xd: {  	s12 =	simm.s32 $0x3700;
	s20 =	sadd.s32 $0x30E0, s9;
	[dreg:$0x7] =	wrdreg s19  }
0xe: {  	s0 =	sadd.s32 s4, s0;
	s21 =	sadd.s32 $0x3D18, s9;
	[dreg:$0x8] =	wrdreg s20  }
0xf: {  	s8 =	sadd.s32 s11, s8;
	s22 =	sadd.s32 $0x4950, s9;
	[dreg:$0x9] =	wrdreg s21  }
0x10: {  	s4 =	simm.s32 $0x3C00;
	s23 =	sadd.s32 $0x5588, s9;
	[dreg:$0xa] =	wrdreg s22  }
0x11: {  	s10 =	simm.s32 $0x2;
	s24 =	sadd.s32 $0x61C0, s9;
	[dreg:$0xb] =	wrdreg s23  }
0x12: {  	s11 =	simm.s32 $0x1B80;
	s25 =	sadd.s32 $0x6DF8, s9;
	[dreg:$0xc] =	wrdreg s24  }
0x13: {  	s26 =	sadd.s32 $0x7A30, s9;
	s0 =	sadd.s32 s16, s0;
	[dreg:$0xd] =	wrdreg s25  }
0x14: {  	[dreg:$0xe] =	wrdreg s26;
	s21 =	sadd.s32 $0x8668, s9;
	s22 =	sadd.s32 $0x92A0, s9  }
0x15: {  	s23 =	sadd.s32 $0x9ED8, s9;
	s24 =	sadd.s32 $0xAB10, s9;
	s25 =	sadd.s32 $0x4AE00, s0  }
0x16: {  	s26 =	sadd.s32 $0xB748, s9;
	s0 =	simm.s32 $0x3800;
	s1 =	simm.s32 $0x1  }
.LBB2_1:
0x17: {  	s15 =	rddreg [dreg:$0x1]  }
0x18: {  	[tilespmem:s28], [sflag:$0x3] =	stream.linear.gather [hbm4b:s15+s3], $0xC38, $0x38;
	[tilespmem:$0x10FB8] =	vst v63  }
0x19: {  	_ =	swait.ge [sflag:s29], $0xC38  }
0x1a: {  	[sflag:s29] =	ssyncset.done $0x0  }
0x1b: {  	[sflag:s29] =	ssyncadd.s32 $0xFFFFF3C8  }
0x1c: {  	[spmem:s9] =	stream.linear.scatter [tilespmem:s28], [sflag:$0x3], $0xC38, $0x38;
	[tilespmem:$0x10FB8] =	vst v63  }
0x1d: {  	_ =	swait.ge [sflag:s29], $0xC38  }
0x1e: {  	[sflag:s29] =	ssyncset.done $0x0  }
0x1f: {  	s16 =	rddreg [dreg:$0x5];
	[sflag:s29] =	ssyncadd.s32 $0xFFFFF3C8  }
0x20: {  	[spmem:s16] =	stream.linear.scatter [tilespmem:s28], [sflag:$0x3], $0xC38, $0x38;
	[tilespmem:$0x10FB8] =	vst v63  }
0x21: {  	_ =	swait.ge [sflag:s29], $0xC38  }
0x22: {  	[sflag:s29] =	ssyncset.done $0x0  }
0x23: {  	s17 =	rddreg [dreg:$0x6];
	[sflag:s29] =	ssyncadd.s32 $0xFFFFF3C8  }
0x24: {  	[spmem:s17] =	stream.linear.scatter [tilespmem:s28], [sflag:$0x3], $0xC38, $0x38;
	[tilespmem:$0x10FB8] =	vst v63  }
0x25: {  	_ =	swait.ge [sflag:s29], $0xC38  }
0x26: {  	[sflag:s29] =	ssyncset.done $0x0  }
0x27: {  	s18 =	rddreg [dreg:$0x7];
	[sflag:s29] =	ssyncadd.s32 $0xFFFFF3C8  }
0x28: {  	[spmem:s18] =	stream.linear.scatter [tilespmem:s28], [sflag:$0x3], $0xC38, $0x38;
	[tilespmem:$0x10FB8] =	vst v63  }
0x29: {  	_ =	swait.ge [sflag:s29], $0xC38  }
0x2a: {  	[sflag:s29] =	ssyncset.done $0x0  }
0x2b: {  	s19 =	rddreg [dreg:$0x8];
	[sflag:s29] =	ssyncadd.s32 $0xFFFFF3C8  }
0x2c: {  	[spmem:s19] =	stream.linear.scatter [tilespmem:s28], [sflag:$0x3], $0xC38, $0x38;
	[tilespmem:$0x10FB8] =	vst v63  }
0x2d: {  	_ =	swait.ge [sflag:s29], $0xC38  }
0x2e: {  	[sflag:s29] =	ssyncset.done $0x0  }
0x2f: {  	s20 =	rddreg [dreg:$0x9];
	[sflag:s29] =	ssyncadd.s32 $0xFFFFF3C8  }
0x30: {  	[spmem:s20] =	stream.linear.scatter [tilespmem:s28], [sflag:$0x3], $0xC38, $0x38;
	[tilespmem:$0x10FB8] =	vst v63  }
0x31: {  	_ =	swait.ge [sflag:s29], $0xC38  }
0x32: {  	[sflag:s29] =	ssyncset.done $0x0  }
0x33: {  	s16 =	rddreg [dreg:$0xa];
	[sflag:s29] =	ssyncadd.s32 $0xFFFFF3C8  }
0x34: {  	[spmem:s16] =	stream.linear.scatter [tilespmem:s28], [sflag:$0x3], $0xC38, $0x38;
	[tilespmem:$0x10FB8] =	vst v63  }
0x35: {  	_ =	swait.ge [sflag:s29], $0xC38  }
0x36: {  	[sflag:s29] =	ssyncset.done $0x0  }
0x37: {  	s17 =	rddreg [dreg:$0xb];
	[sflag:s29] =	ssyncadd.s32 $0xFFFFF3C8  }
0x38: {  	[spmem:s17] =	stream.linear.scatter [tilespmem:s28], [sflag:$0x3], $0xC38, $0x38;
	[tilespmem:$0x10FB8] =	vst v63  }
0x39: {  	_ =	swait.ge [sflag:s29], $0xC38  }
0x3a: {  	[sflag:s29] =	ssyncset.done $0x0  }
0x3b: {  	s18 =	rddreg [dreg:$0xc];
	[sflag:s29] =	ssyncadd.s32 $0xFFFFF3C8  }
0x3c: {  	[spmem:s18] =	stream.linear.scatter [tilespmem:s28], [sflag:$0x3], $0xC38, $0x38;
	[tilespmem:$0x10FB8] =	vst v63  }
0x3d: {  	_ =	swait.ge [sflag:s29], $0xC38  }
0x3e: {  	[sflag:s29] =	ssyncset.done $0x0  }
0x3f: {  	s19 =	rddreg [dreg:$0xd];
	[sflag:s29] =	ssyncadd.s32 $0xFFFFF3C8  }
0x40: {  	[spmem:s19] =	stream.linear.scatter [tilespmem:s28], [sflag:$0x3], $0xC38, $0x38;
	[tilespmem:$0x10FB8] =	vst v63  }
0x41: {  	_ =	swait.ge [sflag:s29], $0xC38  }
0x42: {  	[sflag:s29] =	ssyncset.done $0x0  }
0x43: {  	s20 =	rddreg [dreg:$0xe];
	[sflag:s29] =	ssyncadd.s32 $0xFFFFF3C8  }
0x44: {  	[spmem:s20] =	stream.linear.scatter [tilespmem:s28], [sflag:$0x3], $0xC38, $0x38;
	[tilespmem:$0x10FB8] =	vst v63  }
0x45: {  	_ =	swait.ge [sflag:s29], $0xC38  }
0x46: {  	[sflag:s29] =	ssyncset.done $0x0  }
0x47: {  	[sflag:s29] =	ssyncadd.s32 $0xFFFFF3C8  }
0x48: {  	[spmem:s21] =	stream.linear.scatter [tilespmem:s28], [sflag:$0x3], $0xC38, $0x38;
	[tilespmem:$0x10FB8] =	vst v63  }
0x49: {  	_ =	swait.ge [sflag:s29], $0xC38  }
0x4a: {  	[sflag:s29] =	ssyncset.done $0x0  }
0x4b: {  	[sflag:s29] =	ssyncadd.s32 $0xFFFFF3C8  }
0x4c: {  	[spmem:s22] =	stream.linear.scatter [tilespmem:s28], [sflag:$0x3], $0xC38, $0x38;
	[tilespmem:$0x10FB8] =	vst v63  }
0x4d: {  	_ =	swait.ge [sflag:s29], $0xC38  }
0x4e: {  	[sflag:s29] =	ssyncset.done $0x0  }
0x4f: {  	[sflag:s29] =	ssyncadd.s32 $0xFFFFF3C8  }
0x50: {  	[spmem:s23] =	stream.linear.scatter [tilespmem:s28], [sflag:$0x3], $0xC38, $0x38;
	[tilespmem:$0x10FB8] =	vst v63  }
0x51: {  	_ =	swait.ge [sflag:s29], $0xC38  }
0x52: {  	[sflag:s29] =	ssyncset.done $0x0  }
0x53: {  	[sflag:s29] =	ssyncadd.s32 $0xFFFFF3C8  }
0x54: {  	[spmem:s24] =	stream.linear.scatter [tilespmem:s28], [sflag:$0x3], $0xC38, $0x38;
	[tilespmem:$0x10FB8] =	vst v63  }
0x55: {  	_ =	swait.ge [sflag:s29], $0xC38  }
0x56: {  	[sflag:s29] =	ssyncset.done $0x0  }
0x57: {  	[sflag:s29] =	ssyncadd.s32 $0xFFFFF3C8  }
0x58: {  	[spmem:s26] =	stream.linear.scatter [tilespmem:s28], [sflag:$0x3], $0xC38, $0x38;
	[tilespmem:$0x10FB8] =	vst v63  }
0x59: {  	_ =	swait.ge [sflag:s29], $0xC38  }
0x5a: {  	[sflag:s29] =	ssyncset.done $0x0  }
0x5b: {  	[sflag:s29] =	ssyncadd.s32 $0xFFFFF3C8  }
0x5c: {  	s15 =	simm.s32 $0x0;
	[bflag:$0x0] =	sbarrier.arrive $0xFFFF  }
.LBB2_2:
0x5d: {  	s16 =	smul.u32 $0x38, s15;
	_ =	sdelay $0x1  }
0x5e: {  	s16 =	sadd.s32 s16, s8  }
0x5f: {  	s16 =	sshll.u32 s16, $0x4  }
0x60: {  	s18 =	simm.s32 $0x0;
	s17 =	sadd.s32 s5, s16  }
0x61: {  	[tilespmem:s18], [sflag:$0x3] =	stream.linear.gather [hbm4b:s17+s18], $0x1C00, $0x38;
	[tilespmem:$0x10FB8] =	vst v63  }
0x62: {  	_ =	swait.ge [sflag:s29], $0x1C00  }
0x63: {  	[sflag:s29] =	ssyncset.done $0x0  }
0x64: {  	s16 =	sadd.s32 s6, s16;
	[sflag:s29] =	ssyncadd.s32 $0xFFFFE400  }
0x65: {  	[tilespmem:s30], [sflag:$0x3] =	stream.linear.gather [hbm4b:s16+s18], $0x1C00, $0x38;
	[tilespmem:$0x10FB8] =	vst v63  }
0x66: {  	_ =	swait.ge [sflag:s29], $0x1C00  }
0x67: {  	[sflag:s29] =	ssyncset.done $0x0  }
0x68: {  	[sflag:s29] =	ssyncadd.s32 $0xFFFFE400  }
0x69: {  	[tilespmem:s0], [sflag:$0x1] =	stream.indirect.gather [hbm4b:s7+s31], $0x8, s18, s31, $0xb8;
	[tilespmem:$0x10FB8] =	vst v63  }
0x6a: {  	s17 =	simm.s32 $0x80  }
0x6b: {  	[tilespmem:s4], [sflag:$0x2] =	stream.indirect.gather [hbm4b:s7+s31], $0x8, s17, s31, $0xb8;
	[tilespmem:$0x10FB8] =	vst v63  }
0x6c: {  	_ =	swait.ge [sflag:s1], $0x400  }
0x6d: {  	[sflag:s1] =	ssyncset.done $0x0  }
0x6e: {  	s18 =	simm.s32 $0x1C00;
	[sflag:s1] =	ssyncadd.s32 $0xFFFFFC00  }
0x6f: {  	[spmem:s2] =	stream.indirect.scatter.add.f32 [tilespmem:s0], [sflag:$0x3], $0x8, s18, s31, $0xb8;
	[tilespmem:$0x10FB8] =	vst v63  }
0x70: {  	_ =	swait.ge [sflag:s29], $0x400  }
0x71: {  	[sflag:s29] =	ssyncset.done $0x0  }
0x72: {  	s19 =	simm.s32 $0x100;
	[sflag:s29] =	ssyncadd.s32 $0xFFFFFC00  }
0x73: {  	[tilespmem:s0], [sflag:$0x1] =	stream.indirect.gather [hbm4b:s7+s31], $0x8, s19, s31, $0xb8;
	[tilespmem:$0x10FB8] =	vst v63  }
0x74: {  	_ =	swait.ge [sflag:s10], $0x400  }
0x75: {  	[sflag:s10] =	ssyncset.done $0x0  }
0x76: {  	s20 =	simm.s32 $0x1C80;
	[sflag:s10] =	ssyncadd.s32 $0xFFFFFC00  }
0x77: {  	[spmem:s2] =	stream.indirect.scatter.add.f32 [tilespmem:s4], [sflag:$0x3], $0x8, s20, s31, $0xb8;
	[tilespmem:$0x10FB8] =	vst v63  }
0x78: {  	_ =	swait.ge [sflag:s29], $0x400  }
0x79: {  	s16 =	simm.s32 $0x100;
	s17 =	simm.s32 $0x800;
	[sflag:s29] =	ssyncset.done $0x0  }
.LBB2_3:
0x7a: {  	s18 =	sadd.s32 $0x80, s16  }
0x7b: {  	[sflag:s29] =	ssyncadd.s32 $0xFFFFFC00;
	s19 =	smov.u32 s17;
	s20 =	sadd.s32 $0x400, s17  }
0x7c: {  	[tilespmem:s4], [sflag:$0x2] =	stream.indirect.gather [hbm4b:s7+s31], $0x8, s18, s31, $0xb8;
	[tilespmem:$0x10FB8] =	vst v63  }
0x7d: {  	p0 =	sne.s32 s17, $0x6800;
	_ =	swait.ge [sflag:s1], $0x400  }
0x7e: {  	[sflag:s1] =	ssyncset.done $0x0  }
0x7f: {  	s17 =	sadd.s32 $0x1C00, s16;
	[sflag:s1] =	ssyncadd.s32 $0xFFFFFC00  }
0x80: {  	[spmem:s2] =	stream.indirect.scatter.add.f32 [tilespmem:s0], [sflag:$0x3], $0x8, s17, s31, $0xb8;
	[tilespmem:$0x10FB8] =	vst v63  }
0x81: {  	_ =	swait.ge [sflag:s29], $0x400  }
0x82: {  	[sflag:s29] =	ssyncset.done $0x0  }
0x83: {  	s17 =	sadd.s32 $0x100, s16;
	[sflag:s29] =	ssyncadd.s32 $0xFFFFFC00  }
0x84: {  	[tilespmem:s0], [sflag:$0x1] =	stream.indirect.gather [hbm4b:s7+s31], $0x8, s17, s31, $0xb8;
	[tilespmem:$0x10FB8] =	vst v63  }
0x85: {  	_ =	swait.ge [sflag:s10], $0x400  }
.Ltmp0:
0x86: {  	[sflag:s10] =	ssyncset.done $0x0;
	(pc) =	sbr.rel @p0 .LBB2_3-.Ltmp0, $4  }
0x87: {  	s16 =	sadd.s32 $0x1C80, s16;
	[sflag:s10] =	ssyncadd.s32 $0xFFFFFC00  }
0x88: {  	[spmem:s2] =	stream.indirect.scatter.add.f32 [tilespmem:s4], [sflag:$0x3], $0x8, s16, s31, $0xb8;
	[tilespmem:$0x10FB8] =	vst v63  }
0x89: {  	_ =	swait.ge [sflag:s29], $0x400  }
0x8a: {  	s17 =	smov.u32 s20;
	s16 =	sshra.s32 s19, $0x2;
	[sflag:s29] =	ssyncset.done $0x0  }
0x8b: {  	s17 =	sadd.s32 $0x80, s16;
	[sflag:s29] =	ssyncadd.s32 $0xFFFFFC00  }
0x8c: {  	[tilespmem:s4], [sflag:$0x2] =	stream.indirect.gather [hbm4b:s7+s31], $0x8, s17, s31, $0xb8;
	[tilespmem:$0x10FB8] =	vst v63  }
0x8d: {  	_ =	swait.ge [sflag:s1], $0x400  }
0x8e: {  	[sflag:s1] =	ssyncset.done $0x0  }
0x8f: {  	s18 =	sadd.s32 $0x1C00, s16;
	[sflag:s1] =	ssyncadd.s32 $0xFFFFFC00  }
0x90: {  	[spmem:s2] =	stream.indirect.scatter.add.f32 [tilespmem:s0], [sflag:$0x3], $0x8, s18, s31, $0xb8;
	[tilespmem:$0x10FB8] =	vst v63  }
0x91: {  	_ =	swait.ge [sflag:s29], $0x400  }
0x92: {  	[sflag:s29] =	ssyncset.done $0x0  }
0x93: {  	s19 =	sadd.s32 $0x100, s16;
	[sflag:s29] =	ssyncadd.s32 $0xFFFFFC00  }
0x94: {  	[tilespmem:s0], [sflag:$0x1] =	stream.indirect.gather [hbm4b:s7+s31], $0x8, s19, s31, $0xb8;
	[tilespmem:$0x10FB8] =	vst v63  }
0x95: {  	_ =	swait.ge [sflag:s10], $0x400  }
0x96: {  	[sflag:s10] =	ssyncset.done $0x0  }
0x97: {  	s20 =	sadd.s32 $0x1C80, s16;
	[sflag:s10] =	ssyncadd.s32 $0xFFFFFC00  }
0x98: {  	[spmem:s2] =	stream.indirect.scatter.add.f32 [tilespmem:s4], [sflag:$0x3], $0x8, s20, s31, $0xb8;
	[tilespmem:$0x10FB8] =	vst v63  }
0x99: {  	_ =	swait.ge [sflag:s29], $0x400  }
0x9a: {  	[sflag:s29] =	ssyncset.done $0x0  }
0x9b: {  	[sflag:s29] =	ssyncadd.s32 $0xFFFFFC00  }
0x9c: {  	[tilespmem:s4], [sflag:$0x2] =	stream.indirect.gather [hbm4b:s7+s31], $0x8, s11, s31, $0xb8;
	[tilespmem:$0x10FB8] =	vst v63  }
0x9d: {  	_ =	swait.ge [sflag:s1], $0x400  }
0x9e: {  	[sflag:s1] =	ssyncset.done $0x0  }
0x9f: {  	[sflag:s1] =	ssyncadd.s32 $0xFFFFFC00  }
0xa0: {  	[spmem:s2] =	stream.indirect.scatter.add.f32 [tilespmem:s0], [sflag:$0x3], $0x8, s12, s31, $0xb8;
	[tilespmem:$0x10FB8] =	vst v63  }
0xa1: {  	_ =	swait.ge [sflag:s29], $0x400  }
0xa2: {  	[sflag:s29] =	ssyncset.done $0x0  }
0xa3: {  	[sflag:s29] =	ssyncadd.s32 $0xFFFFFC00  }
0xa4: {  	[tilespmem:s0], [sflag:$0x1] =	stream.indirect.gather [hbm4b:s7+s31], $0x8, s11, s31, $0xb8;
	[tilespmem:$0x10FB8] =	vst v63  }
0xa5: {  	_ =	swait.ge [sflag:s10], $0x400  }
0xa6: {  	[sflag:s10] =	ssyncset.done $0x0  }
0xa7: {  	s15 =	sadd.s32 $0x1, s15;
	[sflag:s10] =	ssyncadd.s32 $0xFFFFFC00  }
0xa8: {  	[spmem:s2] =	stream.indirect.scatter.add.f32 [tilespmem:s4], [sflag:$0x3], $0x8, s13, s31, $0xb8;
	[tilespmem:$0x10FB8] =	vst v63  }
0xa9: {  	p0 =	sne.s32 s15, $0x7;
	_ =	swait.ge [sflag:s29], $0x400  }
.Ltmp1:
0xaa: {  	[sflag:s29] =	ssyncset.done $0x0;
	(pc) =	sbr.rel @p0 .LBB2_2-.Ltmp1, $4  }
0xab: {  	[sflag:s29] =	ssyncadd.s32 $0xFFFFFC00  }
0xac: {  	_ =	swait.ge [sflag:s1], $0x400  }
0xad: {  	[sflag:s1] =	ssyncset.done $0x0  }
0xae: {  	[sflag:s1] =	ssyncadd.s32 $0xFFFFFC00  }
0xaf: {  	[bflag:$0x0] =	sbarrier.arrive $0xFFFF  }
0xb0: {  	[tilespmem:s28], [sflag:$0x3] =	stream.linear.gather [spmem:s9], $0xC38, $0x38;
	[tilespmem:$0x10FB8] =	vst v63  }
0xb1: {  	_ =	swait.ge [sflag:s29], $0xC38  }
0xb2: {  	[sflag:s29] =	ssyncset.done $0x0  }
0xb3: {  	s15 =	sadd.s32 $0x0, s25;
	[sflag:s29] =	ssyncadd.s32 $0xFFFFF3C8  }
0xb4: {  	[hbm4b:s15+s3] =	stream.linear.scatter [tilespmem:s28], [sflag:$0x3], $0xC38, $0x38;
	[tilespmem:$0x10FB8] =	vst v63  }
0xb5: {  	_ =	swait.ge [sflag:s29], $0xC38  }
0xb6: {  	s16 =	smov.u32 s9;
	s15 =	simm.s32 $0x187;
	[sflag:s29] =	ssyncset.done $0x0  }
.LBB2_6:
0xb7: {  	p0 =	sne.s32 s15, $0x16E9;
	[sflag:s29] =	ssyncadd.s32 $0xFFFFF3C8;
	s16 =	sadd.s32 $0xC38, s16  }
0xb8: {  	[tilespmem:s28], [sflag:$0x3] =	stream.linear.gather [spmem:s16], $0xC38, $0x38;
	[tilespmem:$0x10FB8] =	vst v63  }
0xb9: {  	s17 =	smov.u32 s15;
	s15 =	sadd.s32 $0x187, s15;
	_ =	swait.ge [sflag:s29], $0xC38  }
.Ltmp2:
0xba: {  	[sflag:s29] =	ssyncset.done $0x0;
	(pc) =	sbr.rel @p0 .LBB2_6-.Ltmp2, $4  }
0xbb: {  	s17 =	sadd.s32 s17, s25;
	[sflag:s29] =	ssyncadd.s32 $0xFFFFF3C8  }
0xbc: {  	[hbm4b:s17+s3] =	stream.linear.scatter [tilespmem:s28], [sflag:$0x3], $0xC38, $0x38;
	[tilespmem:$0x10FB8] =	vst v63  }
0xbd: {  	_ =	swait.ge [sflag:s29], $0xC38  }
0xbe: {  	[sflag:s29] =	ssyncset.done $0x0  }
0xbf: {  	s14 =	sadd.s32 $0x1, s14;
	s15 =	rddreg [dreg:$0x4]  }
0xc0: {  	p0 =	sne.s32 s14, s15  }
.Ltmp3:
0xc1: {  	_ = 	snop;
	(pc) =	sbr.rel @p0 .LBB2_1-.Ltmp3, $2  }
0xc2: {  	_ =	sdelay $0x2  }
0xc3: {  	[sflag:s29] =	ssyncadd.s32 $0xFFFFF3C8  }
0xc4: {  	_ =	sfence.sel $0x180000  }
0xc5: {  	[bflag:$0x0] =	sbarrier.arrive $0xFFFF  }
0xc6: {  	_ =	strace $0x9000004A  }
0xc7: {  	s0 =	stileid.u32;
	[bflag:$0x2] =	sbarrier.arrive $0xFFFF  }
0xc8: {  	p0 =	sne.s32 s0, $0x0;
	s0 =	rddreg [dreg:$0x3]  }
0xc9: {  	s0 =	sadd.s32 @!p0 $0x100000, s0  }
0xca: {  	[sflag:s0] =	ssyncadd.tile.s32 @!p0 $0x1;
	_ =	shalt  }
.Lfunc_end2:
_tile_overlayer_lowered:
.L_overlay_start_2:
0xcb: {  	(tag) =	ssettag $0x2  }
0xcc: {  	s0 =	rddreg [dreg:$0x0];
	s2 =	stileid.u32  }
0xcd: {  	s1 =	rddreg [dreg:$0x1];
	p0 =	sne.s32 s2, $0x0  }
0xce: {  	s3 =	rddreg [dreg:$0x2];
	[bflag:$0x3] =	sbarrier.arrive $0xFFFF;
	s2 =	simm.s32 @!p0 $0x1C03  }
0xcf: {  	[timem:s3], [sflag:s2] =	dma.local @!p0 [hbm:s0], s1  }
0xd0: {  	s0 =	simm.s32 @!p0 $0x3  }
0xd1: {  	_ =	swait.ge @!p0 [sflag:s0], s1  }
0xd2: {  	s1 =	ssub.s32 @!p0 $0x0, s1;
	[sflag:s0] =	ssyncset.done @!p0 $0x0  }
0xd3: {  	[sflag:s0] =	ssyncadd.s32 @!p0 s1  }
0xd4: {  	[bflag:$0x3] =	sbarrier.arrive $0xFFFF  }
0xd5: {  	_ =	shalt  }

// kernel: kernel.14.cloned.1.call-start
scs
__scs_entry_jumppad:
0x0: {  	(pc) =	sbr.rel $0x88, $3  }
0x1: {  	(tag) =	ssettag $0x0;
	lr =	simm.s32 $0x1  }
0x2: {  	[smem:$0x3F97] =	sst lr;
	_ =	strace $0xD0000000  }
0x3: {  	_ = 	snop  }
0x4: {  	_ = 	snop  }
0x5: {  	_ = 	snop  }
0x6: {  	_ = 	snop  }
0x7: {  	_ = 	snop  }
__scs_overlays_trampoline_lowered:
0x8: {  	[smem:$0x3FA6] =	sst s0  }
0x9: {  	[smem:$0x3FA7] =	sst s1  }
0xa: {  	[smem:$0x3FA8] =	sst s2  }
0xb: {  	[smem:$0x3FA9] =	sst s3  }
0xc: {  	[smem:$0x3FAA] =	sst s4  }
0xd: {  	[smem:$0x3FAB] =	sst s5  }
0xe: {  	[smem:$0x3FAC] =	sst s6  }
0xf: {  	[smem:$0x3FAD] =	sst s7  }
0x10: {  	[smem:$0x3FAE] =	sst s8  }
0x11: {  	[smem:$0x3FAF] =	sst s9;
	s0 =	simm.s32 @!p0 $0x0  }
0x12: {  	s1 =	sld [smem:$0x3F95];
	s0 =	simm.s32 @p0 $0x1  }
0x13: {  	[smem:$0x3FB0] =	sst s0;
	s0 =	simm.s32 @!p1 $0x0  }
0x14: {  	s2 =	sld [smem:$0x3F94];
	s0 =	simm.s32 @p1 $0x1  }
0x15: {  	[smem:$0x3FB1] =	sst s0;
	s0 =	simm.s32 @!p2 $0x0  }
0x16: {  	s3 =	sld [smem:$0x3FDB];
	s0 =	simm.s32 @p2 $0x1  }
0x17: {  	s4 =	simm.s32 $0x1BF5;
	[smem:$0x3FB3] =	sst s0  }
0x18: {  	s0 =	sld [smem:$0x3F96];
	_ =	swait.ge [sflag:s4], $0x0  }
0x19: {  	s7 =	sld [smem:$0x3F97]  }
0x1a: {  	s8 =	sadd.s32 $0xFFFFE003, lr  }
0x1b: {  	s9 =	sadd.s32 $0xFFFFFEF7, lr;
	s5 =	simm.s32 $0xFFFFFFFF;
	p2 =	slt.u32 s8, $0xFFFFF086  }
0x1c: {  	p1 =	slt.u32 s9, $0xF7A;
	s5 =	simm.s32 @!p2 $0x0  }
0x1d: {  	s5 =	simm.s32 @p1 $0x1;
	p0 =	seq.s32 s7, s2  }
0x1e: {  	s7 =	smul.u32 @!p0 $0xF7A, s2;
	p2 =	seq.s32 @!p0 s5, $0x0  }
0x1f: {  	s9 =	smul.u32 $0xF7A, s1;
	s8 =	simm.s32 @!p0 $0x1BF5;
	p2 =	por !p2, p0  }
0x20: {  	[sflag:s8] =	ssyncset.s32 @!p0 $0xFFFFF086;
	s6 =	sadd.s32 @!p0 s3, s7;
	s7 =	simm.s32 @!p0 $0x108  }
0x21: {  	s3 =	sadd.s32 s3, s9;
	s6 =	sadd.s32 @!p0 $0x88, s6;
	s7 =	simm.s32 @p2 $0x1082  }
0x22: {  	[simem:s7], [sflag:s8] =	dma.local @!p0 [hbm:s6], $0xF7A  }
0x23: {  	s9 =	sor.u32 $0xD0000000, s2;
	s6 =	simm.s32 $0x108;
	_ =	swait.ge @!p0 [sflag:s8], $0x0  }
0x24: {  	s3 =	sadd.s32 $0x88, s3;
	s6 =	simm.s32 @!p1 $0x1082;
	[sflag:s4] =	ssyncset.s32 $0xFFFFF086  }
0x25: {  	[simem:s6], [sflag:s4] =	dma.local [hbm:s3], $0xF7A  }
0x26: {  	[smem:$0x3F97] =	sst s1;
	(tag) =	ssettag s2;
	_ =	strace s9  }
0x27: {  	s1 =	sld [smem:$0x3FA7]  }
0x28: {  	s2 =	sld [smem:$0x3FA8]  }
0x29: {  	s4 =	sld [smem:$0x3FAA]  }
0x2a: {  	p0 =	seq.s32 s5, $0x0;
	s5 =	sld [smem:$0x3FAB]  }
0x2b: {  	s6 =	sld [smem:$0x3FAC]  }
0x2c: {  	s7 =	sld [smem:$0x3FAD]  }
0x2d: {  	s3 =	simm.s32 $0x108;
	s8 =	sld [smem:$0x3FAE]  }
0x2e: {  	s3 =	simm.s32 @!p0 $0x1082;
	s9 =	sld [smem:$0x3FAF]  }
0x2f: {  	lr =	sadd.s32 s0, s3;
	s0 =	sld [smem:$0x3FA6]  }
0x30: {  	s3 =	sld [smem:$0x3FA9]  }
0x31: {  	[smem:$0x3FB2] =	sst s10  }
0x32: {  	s10 =	sld [smem:$0x3FB0];
	_ =	sdelay $0x3  }
0x33: {  	p0 =	seq.s32 s10, $0x1;
	s10 =	sld [smem:$0x3FB2];
	_ =	sdelay $0x3  }
0x34: {  	[smem:$0x3FB2] =	sst s10  }
0x35: {  	s10 =	sld [smem:$0x3FB1];
	_ =	sdelay $0x3  }
0x36: {  	p1 =	seq.s32 s10, $0x1;
	s10 =	sld [smem:$0x3FB2];
	_ =	sdelay $0x3  }
0x37: {  	[smem:$0x3FB2] =	sst s10  }
0x38: {  	s10 =	sld [smem:$0x3FB3]  }
0x39: {  	_ = 	snop;
	(pc) =	sbr.ind lr, $3  }
0x3a: {  	_ = 	snop  }
0x3b: {  	_ = 	snop  }
0x3c: {  	p2 =	seq.s32 s10, $0x1;
	s10 =	sld [smem:$0x3FB2]  }
0x3d: {  	_ =	shalt  }
0x3e: {  	_ =	shalt  }
0x3f: {  	_ =	shalt  }
0x40: {  	_ =	shalt  }
0x41: {  	_ =	shalt  }
0x42: {  	_ =	shalt  }
0x43: {  	_ =	shalt  }
0x44: {  	_ =	shalt  }
0x45: {  	_ =	shalt  }
0x46: {  	_ =	shalt  }
0x47: {  	_ =	shalt  }
0x48: {  	_ =	shalt  }
0x49: {  	_ =	shalt  }
0x4a: {  	_ =	shalt  }
0x4b: {  	_ =	shalt  }
0x4c: {  	_ =	shalt  }
0x4d: {  	_ =	shalt  }
0x4e: {  	_ =	shalt  }
0x4f: {  	_ =	shalt  }
0x50: {  	_ =	shalt  }
0x51: {  	_ =	shalt  }
0x52: {  	_ =	shalt  }
0x53: {  	_ =	shalt  }
0x54: {  	_ =	shalt  }
0x55: {  	_ =	shalt  }
0x56: {  	_ =	shalt  }
0x57: {  	_ =	shalt  }
0x58: {  	_ =	shalt  }
0x59: {  	_ =	shalt  }
0x5a: {  	_ =	shalt  }
0x5b: {  	_ =	shalt  }
0x5c: {  	_ =	shalt  }
0x5d: {  	_ =	shalt  }
0x5e: {  	_ =	shalt  }
0x5f: {  	_ =	shalt  }
0x60: {  	_ =	shalt  }
0x61: {  	_ =	shalt  }
0x62: {  	_ =	shalt  }
0x63: {  	_ =	shalt  }
0x64: {  	_ =	shalt  }
0x65: {  	_ =	shalt  }
0x66: {  	_ =	shalt  }
0x67: {  	_ =	shalt  }
0x68: {  	_ =	shalt  }
0x69: {  	_ =	shalt  }
0x6a: {  	_ =	shalt  }
0x6b: {  	_ =	shalt  }
0x6c: {  	_ =	shalt  }
0x6d: {  	_ =	shalt  }
0x6e: {  	_ =	shalt  }
0x6f: {  	_ =	shalt  }
0x70: {  	_ =	shalt  }
0x71: {  	_ =	shalt  }
0x72: {  	_ =	shalt  }
0x73: {  	_ =	shalt  }
0x74: {  	_ =	shalt  }
0x75: {  	_ =	shalt  }
0x76: {  	_ =	shalt  }
0x77: {  	_ =	shalt  }
0x78: {  	_ =	shalt  }
0x79: {  	_ =	shalt  }
0x7a: {  	_ =	shalt  }
0x7b: {  	_ =	shalt  }
0x7c: {  	_ =	shalt  }
0x7d: {  	_ =	shalt  }
0x7e: {  	_ =	shalt  }
0x7f: {  	_ =	shalt  }
0x80: {  	_ =	shalt  }
0x81: {  	_ =	shalt  }
0x82: {  	_ =	shalt  }
0x83: {  	_ =	shalt  }
0x84: {  	_ =	shalt  }
0x85: {  	_ =	shalt  }
0x86: {  	_ =	shalt  }
0x87: {  	_ =	shalt  }
.Lfunc_end0:
.L_simem_size_0:
called_computation.2_lowered:
.L_overlay_start_0:
0x88: {  	s2 =	sld [smem:$0x3FD9]  }
0x89: {  	s3 =	sld [smem:$0x3FFE];
	_ =	sdelay $0x1  }
0x8a: {  	s1 =	srdreg.scid  }
0x8b: {  	s0 =	sand.u32 $0x1, s1  }
0x8c: {  	s17 =	sshll.u32 s0, $0xA;
	s2 =	sadd.s32 s3, s2  }
0x8d: {  	s2 =	sadd.s32 s2, s17  }
0x8e: {  	[smem:$0x3FBE] =	sst s2  }
0x8f: {  	_ = 	snop  }
0x90: {  	s2 =	sld [smem:$0x3FD0];
	(tm) =	ssettm $0x1  }
0x91: {  	s18 =	sld [smem:$0x3FFB];
	_ =	sdelay $0x3  }
0x92: {  	_ =	strace s18  }
0x93: {  	s3 =	sld [smem:$0x3FFC];
	_ =	sdelay $0x3  }
0x94: {  	_ =	strace s3  }
0x95: {  	s3 =	sld [smem:$0x3FFD];
	_ =	sdelay $0x3  }
0x96: {  	_ =	strace s3  }
0x97: {  	_ =	strace $0x8FFFFFFF  }
0x98: {  	s19 =	sld [smem:$0x3FDB];
	_ =	sdelay $0x1  }
0x99: {  	s4 =	simm.s32 $_scs_section_size  }
0x9a: {  	s5 =	simm.s32 $_size__tile_overlayer_lowered;
	s6 =	simm.s32 $_tile_overlayer_lowered  }
0x9b: {  	s22 =	simm.s32 $0x1BFF;
	s21 =	sshll.u32 s6, $0x1;
	s3 =	sadd.s32 s4, s19  }
0x9c: {  	s7 =	simm.s32 $0x0;
	s20 =	sshll.u32 s5, $0x1;
	s5 =	sadd.s32 s21, s3  }
0x9d: {  	[timem:s7], [sflag:s22] =	dma.local [hbm:s5], s20  }
0x9e: {  	_ =	swait.ge [sflag:s22], s20  }
0x9f: {  	s4 =	ssub.s32 $0x0, s20;
	[sflag:s22] =	ssyncset.done $0x0  }
0xa0: {  	[sflag:s22] =	ssyncadd.s32 s4;
	_ =	sdelay $0x1  }
0xa1: {  	s23 =	simm.s32 $0x1B8B  }
0xa2: {  	_ =	swait.ge [sflag:s23], $0x1  }
0xa3: {  	[sflag:s23] =	ssyncset.done $0x0  }
0xa4: {  	s25 =	simm.s32 $0x1B8E;
	s24 =	sld [smem:$0x3FFE];
	[sflag:s23] =	ssyncadd.s32 $0xFFFFFFFF  }
0xa5: {  	s26 =	simm.s32 $execute0_lowered;
	[smem:$0x3FD2] =	sst s25  }
0xa6: {  	s5 =	sshll.u32 s26, $0x1;
	_ =	strace $0x8000004C;
	[dreg:$0x1] =	wrdreg $0xFFFFFFFF  }
0xa7: {  	s28 =	simm.s32 $_size_execute0_lowered;
	s3 =	sadd.s32 s3, s5;
	[dreg:$0x0] =	wrdreg $0x0  }
0xa8: {  	s5 =	sshll.u32 s28, $0x1;
	[dreg:$0x2] =	wrdreg s3  }
0xa9: {  	[dreg:$0x3] =	wrdreg s5  }
0xaa: {  	[dreg:$0x4] =	wrdreg $0xC0  }
0xab: {  	_ =	task [dreg:s7], $0x5FFFF  }
0xac: {  	[dreg:$0x1] =	wrdreg $0xFFFFFFFF  }
0xad: {  	[dreg:$0x0] =	wrdreg $0x60  }
0xae: {  	[dreg:$0x2] =	wrdreg s24  }
0xaf: {  	[dreg:$0x3] =	wrdreg s2  }
0xb0: {  	[dreg:$0x4] =	wrdreg $0x60700  }
0xb1: {  	[dreg:$0x5] =	wrdreg $0x9  }
0xb2: {  	_ =	task.clear_ibuf [dreg:s7], $0x6FFFF;
	_ =	strace $0x9000004C  }
0xb3: {  	s29 =	simm.s32 $0x9;
	_ =	strace $0x8000004E  }
0xb4: {  	_ =	swait.ge [sflag:s29], $0x1  }
0xb5: {  	[sflag:s29] =	ssyncadd.s32 $0xFFFFFFFF  }
0xb6: {  	_ =	strace $0x9000004E  }
0xb7: {  	_ =	sfence  }
0xb8: {  	s30 =	sld [smem:$0x0];
	_ =	sdelay $0x2  }
0xb9: {  	s31 =	sshll.u32 s1, $0xD;
	s1 =	sshrl.u32 s1, $0x2  }
0xba: {  	s3 =	sand.u32 $0x4000, s31;
	s1 =	sadd.s32 s1, s30  }
0xbb: {  	s0 =	sor.u32 s3, s0;
	s1 =	sshll.u32 s1, $0x11  }
0xbc: {  	s0 =	sor.u32 s1, s0  }
0xbd: {  	s0 =	sadd.s32 $0x8F2B, s0  }
0xbe: {  	[sflag:s0] =	ssyncadd.remote.s32 $0x1  }
0xbf: {  	_ =	sfence.sel $0xFFFF  }
0xc0: {  	[dreg:$0x0] =	wrdreg $0xFFFFFFFF;
	(pc) =	sbr.abs _section_cstart, $3  }
0xc1: {  	[dreg:$0x1] =	wrdreg $0xFFFFFFFF  }
0xc2: {  	_ =	task.clear_ibuf [dreg:s7], $0x2FFFF;
	_ =	strace $0x9FFFFFFF  }
0xc3: {  	(tm) =	ssettm $0x7FFFFFFF  }
tec
execute0_lowered:
.L_overlay_start_1:
0x0: {  	(tag) =	ssettag $0x1  }
0x1: {  	s1 =	srdreg.scid;
	s11 =	stileid.u32  }
0x2: {  	s0 =	rddreg [dreg:$0x0];
	s1 =	sand.u32 $0x1, s1;
	s7 =	smul.u32 $0x18700, s11  }
0x3: {  	s2 =	rddreg [dreg:$0x2];
	s4 =	simm.s32 $0x0;
	s3 =	smul.u32 $0x187000, s1  }
0x4: {  	s29 =	simm.s32 $0x4800;
	s5 =	sadd.s32 $0x7BC00, s0;
	s8 =	smul.u32 $0x61C00, s11  }
0x5: {  	s6 =	sadd.s32 $0x1600, s0;
	s9 =	ssub.s32 $0x2, s1;
	s3 =	sadd.s32 s7, s3  }
0x6: {  	s14 =	sshrl.u32 s9, $0x1;
	s10 =	sshrl.u32 s8, $0x2;
	s3 =	sshrl.u32 s3, $0x3  }
0x7: {  	s7 =	sadd.s32 $0x3EB000, s0;
	s0 =	sadd.s32 s3, s0;
	s3 =	ssub.s32 s9, s14  }
0x8: {  	[smem:$0x7FF] =	sst s4;
	s9 =	sadd.s32 s10, s2;
	s15 =	smax.u32 s3, $0x1  }
0x9: {  	_ =	strace $0x8000004D;
	s16 =	sadd.s32 $0x1870, s9;
	[dreg:$0x4] =	wrdreg s15  }
0xa: {  	s30 =	simm.s32 $0x3;
	s17 =	sadd.s32 $0x30E0, s9;
	[dreg:$0x5] =	wrdreg s16  }
0xb: {  	s31 =	simm.s32 $0x1C00;
	s18 =	sadd.s32 $0x4950, s9;
	[dreg:$0x6] =	wrdreg s17  }
0xc: {  	s12 =	simm.s32 $0x2;
	s19 =	sadd.s32 $0x61C0, s9;
	[dreg:$0x7] =	wrdreg s18  }
0xd: {  	s13 =	simm.s32 $0x1B80;
	s20 =	sadd.s32 $0x7A30, s9;
	[dreg:$0x8] =	wrdreg s19  }
0xe: {  	s8 =	smul.u32 $0x310, s11;
	s21 =	sadd.s32 $0x92A0, s9;
	[dreg:$0x9] =	wrdreg s20  }
0xf: {  	s11 =	simm.s32 $0x1;
	s22 =	sadd.s32 $0xAB10, s9;
	[dreg:$0xa] =	wrdreg s21  }
0x10: {  	s10 =	smul.u32 $0x188000, s1;
	s23 =	sadd.s32 $0xC380, s9;
	[dreg:$0xb] =	wrdreg s22  }
0x11: {  	s1 =	simm.s32 $0x4000;
	s24 =	sadd.s32 $0xDBF0, s9;
	[dreg:$0xc] =	wrdreg s23  }
0x12: {  	s14 =	simm.s32 $0x3700;
	s25 =	sadd.s32 $0xF460, s9;
	[dreg:$0xd] =	wrdreg s24  }
0x13: {  	s26 =	sadd.s32 $0x10CD0, s9;
	s28 =	sadd.s32 $0x16E90, s9;
	[dreg:$0xe] =	wrdreg s25  }
0x14: {  	s3 =	simm.s32 $0x3800;
	[dreg:$0xf] =	wrdreg s26;
	s23 =	sadd.s32 $0x12540, s9  }
0x15: {  	s24 =	sadd.s32 $0x13DB0, s9;
	s25 =	sadd.s32 $0x44CC00, s0;
	s26 =	sadd.s32 $0x15620, s9  }
0x16: {  	s0 =	simm.s32 $0x80;
	s15 =	simm.s32 $0x3780;
	s16 =	simm.s32 $0x0  }
.LBB2_1:
0x17: {  	s17 =	rddreg [dreg:$0x1]  }
0x18: {  	[tilespmem:s29], [sflag:$0x3] =	stream.linear.gather [hbm4b:s17+s4], $0x1870, $0x38;
	[tilespmem:$0x1E770] =	vst v63  }
0x19: {  	_ =	swait.ge [sflag:s30], $0x1870  }
0x1a: {  	[sflag:s30] =	ssyncset.done $0x0  }
0x1b: {  	[sflag:s30] =	ssyncadd.s32 $0xFFFFE790  }
0x1c: {  	[spmem:s9] =	stream.linear.scatter [tilespmem:s29], [sflag:$0x3], $0x1870, $0x38;
	[tilespmem:$0x1E770] =	vst v63  }
0x1d: {  	_ =	swait.ge [sflag:s30], $0x1870  }
0x1e: {  	[sflag:s30] =	ssyncset.done $0x0  }
0x1f: {  	s22 =	rddreg [dreg:$0x5];
	[sflag:s30] =	ssyncadd.s32 $0xFFFFE790  }
0x20: {  	[spmem:s22] =	stream.linear.scatter [tilespmem:s29], [sflag:$0x3], $0x1870, $0x38;
	[tilespmem:$0x1E770] =	vst v63  }
0x21: {  	_ =	swait.ge [sflag:s30], $0x1870  }
0x22: {  	[sflag:s30] =	ssyncset.done $0x0  }
0x23: {  	s18 =	rddreg [dreg:$0x6];
	[sflag:s30] =	ssyncadd.s32 $0xFFFFE790  }
0x24: {  	[spmem:s18] =	stream.linear.scatter [tilespmem:s29], [sflag:$0x3], $0x1870, $0x38;
	[tilespmem:$0x1E770] =	vst v63  }
0x25: {  	_ =	swait.ge [sflag:s30], $0x1870  }
0x26: {  	[sflag:s30] =	ssyncset.done $0x0  }
0x27: {  	s19 =	rddreg [dreg:$0x7];
	[sflag:s30] =	ssyncadd.s32 $0xFFFFE790  }
0x28: {  	[spmem:s19] =	stream.linear.scatter [tilespmem:s29], [sflag:$0x3], $0x1870, $0x38;
	[tilespmem:$0x1E770] =	vst v63  }
0x29: {  	_ =	swait.ge [sflag:s30], $0x1870  }
0x2a: {  	[sflag:s30] =	ssyncset.done $0x0  }
0x2b: {  	s20 =	rddreg [dreg:$0x8];
	[sflag:s30] =	ssyncadd.s32 $0xFFFFE790  }
0x2c: {  	[spmem:s20] =	stream.linear.scatter [tilespmem:s29], [sflag:$0x3], $0x1870, $0x38;
	[tilespmem:$0x1E770] =	vst v63  }
0x2d: {  	_ =	swait.ge [sflag:s30], $0x1870  }
0x2e: {  	[sflag:s30] =	ssyncset.done $0x0  }
0x2f: {  	s21 =	rddreg [dreg:$0x9];
	[sflag:s30] =	ssyncadd.s32 $0xFFFFE790  }
0x30: {  	[spmem:s21] =	stream.linear.scatter [tilespmem:s29], [sflag:$0x3], $0x1870, $0x38;
	[tilespmem:$0x1E770] =	vst v63  }
0x31: {  	_ =	swait.ge [sflag:s30], $0x1870  }
0x32: {  	[sflag:s30] =	ssyncset.done $0x0  }
0x33: {  	s22 =	rddreg [dreg:$0xa];
	[sflag:s30] =	ssyncadd.s32 $0xFFFFE790  }
0x34: {  	[spmem:s22] =	stream.linear.scatter [tilespmem:s29], [sflag:$0x3], $0x1870, $0x38;
	[tilespmem:$0x1E770] =	vst v63  }
0x35: {  	_ =	swait.ge [sflag:s30], $0x1870  }
0x36: {  	[sflag:s30] =	ssyncset.done $0x0  }
0x37: {  	s18 =	rddreg [dreg:$0xb];
	[sflag:s30] =	ssyncadd.s32 $0xFFFFE790  }
0x38: {  	[spmem:s18] =	stream.linear.scatter [tilespmem:s29], [sflag:$0x3], $0x1870, $0x38;
	[tilespmem:$0x1E770] =	vst v63  }
0x39: {  	_ =	swait.ge [sflag:s30], $0x1870  }
0x3a: {  	[sflag:s30] =	ssyncset.done $0x0  }
0x3b: {  	s19 =	rddreg [dreg:$0xc];
	[sflag:s30] =	ssyncadd.s32 $0xFFFFE790  }
0x3c: {  	[spmem:s19] =	stream.linear.scatter [tilespmem:s29], [sflag:$0x3], $0x1870, $0x38;
	[tilespmem:$0x1E770] =	vst v63  }
0x3d: {  	_ =	swait.ge [sflag:s30], $0x1870  }
0x3e: {  	[sflag:s30] =	ssyncset.done $0x0  }
0x3f: {  	s20 =	rddreg [dreg:$0xd];
	[sflag:s30] =	ssyncadd.s32 $0xFFFFE790  }
0x40: {  	[spmem:s20] =	stream.linear.scatter [tilespmem:s29], [sflag:$0x3], $0x1870, $0x38;
	[tilespmem:$0x1E770] =	vst v63  }
0x41: {  	_ =	swait.ge [sflag:s30], $0x1870  }
0x42: {  	[sflag:s30] =	ssyncset.done $0x0  }
0x43: {  	s21 =	rddreg [dreg:$0xe];
	[sflag:s30] =	ssyncadd.s32 $0xFFFFE790  }
0x44: {  	[spmem:s21] =	stream.linear.scatter [tilespmem:s29], [sflag:$0x3], $0x1870, $0x38;
	[tilespmem:$0x1E770] =	vst v63  }
0x45: {  	_ =	swait.ge [sflag:s30], $0x1870  }
0x46: {  	[sflag:s30] =	ssyncset.done $0x0  }
0x47: {  	s22 =	rddreg [dreg:$0xf];
	[sflag:s30] =	ssyncadd.s32 $0xFFFFE790  }
0x48: {  	[spmem:s22] =	stream.linear.scatter [tilespmem:s29], [sflag:$0x3], $0x1870, $0x38;
	[tilespmem:$0x1E770] =	vst v63  }
0x49: {  	_ =	swait.ge [sflag:s30], $0x1870  }
0x4a: {  	[sflag:s30] =	ssyncset.done $0x0  }
0x4b: {  	[sflag:s30] =	ssyncadd.s32 $0xFFFFE790  }
0x4c: {  	[spmem:s23] =	stream.linear.scatter [tilespmem:s29], [sflag:$0x3], $0x1870, $0x38;
	[tilespmem:$0x1E770] =	vst v63  }
0x4d: {  	_ =	swait.ge [sflag:s30], $0x1870  }
0x4e: {  	[sflag:s30] =	ssyncset.done $0x0  }
0x4f: {  	[sflag:s30] =	ssyncadd.s32 $0xFFFFE790  }
0x50: {  	[spmem:s24] =	stream.linear.scatter [tilespmem:s29], [sflag:$0x3], $0x1870, $0x38;
	[tilespmem:$0x1E770] =	vst v63  }
0x51: {  	_ =	swait.ge [sflag:s30], $0x1870  }
0x52: {  	[sflag:s30] =	ssyncset.done $0x0  }
0x53: {  	[sflag:s30] =	ssyncadd.s32 $0xFFFFE790  }
0x54: {  	[spmem:s26] =	stream.linear.scatter [tilespmem:s29], [sflag:$0x3], $0x1870, $0x38;
	[tilespmem:$0x1E770] =	vst v63  }
0x55: {  	_ =	swait.ge [sflag:s30], $0x1870  }
0x56: {  	[sflag:s30] =	ssyncset.done $0x0  }
0x57: {  	[sflag:s30] =	ssyncadd.s32 $0xFFFFE790  }
0x58: {  	[spmem:s28] =	stream.linear.scatter [tilespmem:s29], [sflag:$0x3], $0x1870, $0x38;
	[tilespmem:$0x1E770] =	vst v63  }
0x59: {  	_ =	swait.ge [sflag:s30], $0x1870  }
0x5a: {  	[sflag:s30] =	ssyncset.done $0x0  }
0x5b: {  	[sflag:s30] =	ssyncadd.s32 $0xFFFFE790  }
0x5c: {  	s17 =	simm.s32 $0x0;
	[bflag:$0x0] =	sbarrier.arrive $0xFFFF  }
.LBB2_2:
0x5d: {  	s18 =	smul.u32 $0x38, s17;
	_ =	sdelay $0x1  }
0x5e: {  	s18 =	sadd.s32 s8, s18  }
0x5f: {  	s19 =	sshll.u32 s18, $0x7  }
0x60: {  	s19 =	sadd.s32 s10, s19  }
0x61: {  	s19 =	sshrl.u32 s19, $0x3  }
0x62: {  	s20 =	simm.s32 $0x0;
	s19 =	sadd.s32 s5, s19  }
0x63: {  	[tilespmem:s20], [sflag:$0x3] =	stream.linear.gather [hbm4b:s19+s20], $0x1C00, $0x38;
	[tilespmem:$0x1E770] =	vst v63  }
0x64: {  	_ =	swait.ge [sflag:s30], $0x1C00  }
0x65: {  	s18 =	sshll.u32 s18, $0x4;
	[sflag:s30] =	ssyncset.done $0x0  }
0x66: {  	s18 =	sadd.s32 s6, s18;
	[sflag:s30] =	ssyncadd.s32 $0xFFFFE400  }
0x67: {  	[tilespmem:s31], [sflag:$0x3] =	stream.linear.gather [hbm4b:s18+s20], $0x1C00, $0x38;
	[tilespmem:$0x1E770] =	vst v63  }
0x68: {  	_ =	swait.ge [sflag:s30], $0x1C00  }
0x69: {  	[sflag:s30] =	ssyncset.done $0x0  }
0x6a: {  	[sflag:s30] =	ssyncadd.s32 $0xFFFFE400  }
0x6b: {  	[tilespmem:s3], [sflag:$0x1] =	stream.indirect.gather [hbm4b:s7+s0], $0x10, s20, s0, $0xb8;
	[tilespmem:$0x1E770] =	vst v63  }
0x6c: {  	s19 =	simm.s32 $0x80  }
0x6d: {  	[tilespmem:s1], [sflag:$0x2] =	stream.indirect.gather [hbm4b:s7+s0], $0x10, s19, s0, $0xb8;
	[tilespmem:$0x1E770] =	vst v63  }
0x6e: {  	_ =	swait.ge [sflag:s11], $0x800  }
0x6f: {  	[sflag:s11] =	ssyncset.done $0x0  }
0x70: {  	s20 =	simm.s32 $0x1C00;
	[sflag:s11] =	ssyncadd.s32 $0xFFFFF800  }
0x71: {  	[spmem:s2] =	stream.indirect.scatter.add.f32 [tilespmem:s3], [sflag:$0x3], $0x10, s20, s0, $0xb8;
	[tilespmem:$0x1E770] =	vst v63  }
0x72: {  	_ =	swait.ge [sflag:s30], $0x800  }
0x73: {  	[sflag:s30] =	ssyncset.done $0x0  }
0x74: {  	s21 =	simm.s32 $0x100;
	[sflag:s30] =	ssyncadd.s32 $0xFFFFF800  }
0x75: {  	[tilespmem:s3], [sflag:$0x1] =	stream.indirect.gather [hbm4b:s7+s0], $0x10, s21, s0, $0xb8;
	[tilespmem:$0x1E770] =	vst v63  }
0x76: {  	_ =	swait.ge [sflag:s12], $0x800  }
0x77: {  	[sflag:s12] =	ssyncset.done $0x0  }
0x78: {  	s22 =	simm.s32 $0x1C80;
	[sflag:s12] =	ssyncadd.s32 $0xFFFFF800  }
0x79: {  	[spmem:s2] =	stream.indirect.scatter.add.f32 [tilespmem:s1], [sflag:$0x3], $0x10, s22, s0, $0xb8;
	[tilespmem:$0x1E770] =	vst v63  }
0x7a: {  	_ =	swait.ge [sflag:s30], $0x800  }
0x7b: {  	s18 =	simm.s32 $0x100;
	s19 =	simm.s32 $0x800;
	[sflag:s30] =	ssyncset.done $0x0  }
.LBB2_3:
0x7c: {  	s20 =	sadd.s32 $0x80, s18  }
0x7d: {  	[sflag:s30] =	ssyncadd.s32 $0xFFFFF800;
	s21 =	smov.u32 s19;
	s22 =	sadd.s32 $0x400, s19  }
0x7e: {  	[tilespmem:s1], [sflag:$0x2] =	stream.indirect.gather [hbm4b:s7+s0], $0x10, s20, s0, $0xb8;
	[tilespmem:$0x1E770] =	vst v63  }
0x7f: {  	p0 =	sne.s32 s19, $0x6800;
	_ =	swait.ge [sflag:s11], $0x800  }
0x80: {  	[sflag:s11] =	ssyncset.done $0x0  }
0x81: {  	s19 =	sadd.s32 $0x1C00, s18;
	[sflag:s11] =	ssyncadd.s32 $0xFFFFF800  }
0x82: {  	[spmem:s2] =	stream.indirect.scatter.add.f32 [tilespmem:s3], [sflag:$0x3], $0x10, s19, s0, $0xb8;
	[tilespmem:$0x1E770] =	vst v63  }
0x83: {  	_ =	swait.ge [sflag:s30], $0x800  }
0x84: {  	[sflag:s30] =	ssyncset.done $0x0  }
0x85: {  	s19 =	sadd.s32 $0x100, s18;
	[sflag:s30] =	ssyncadd.s32 $0xFFFFF800  }
0x86: {  	[tilespmem:s3], [sflag:$0x1] =	stream.indirect.gather [hbm4b:s7+s0], $0x10, s19, s0, $0xb8;
	[tilespmem:$0x1E770] =	vst v63  }
0x87: {  	_ =	swait.ge [sflag:s12], $0x800  }
.Ltmp0:
0x88: {  	[sflag:s12] =	ssyncset.done $0x0;
	(pc) =	sbr.rel @p0 .LBB2_3-.Ltmp0, $4  }
0x89: {  	s18 =	sadd.s32 $0x1C80, s18;
	[sflag:s12] =	ssyncadd.s32 $0xFFFFF800  }
0x8a: {  	[spmem:s2] =	stream.indirect.scatter.add.f32 [tilespmem:s1], [sflag:$0x3], $0x10, s18, s0, $0xb8;
	[tilespmem:$0x1E770] =	vst v63  }
0x8b: {  	_ =	swait.ge [sflag:s30], $0x800  }
0x8c: {  	s19 =	smov.u32 s22;
	s18 =	sshra.s32 s21, $0x2;
	[sflag:s30] =	ssyncset.done $0x0  }
0x8d: {  	s19 =	sadd.s32 $0x80, s18;
	[sflag:s30] =	ssyncadd.s32 $0xFFFFF800  }
0x8e: {  	[tilespmem:s1], [sflag:$0x2] =	stream.indirect.gather [hbm4b:s7+s0], $0x10, s19, s0, $0xb8;
	[tilespmem:$0x1E770] =	vst v63  }
0x8f: {  	_ =	swait.ge [sflag:s11], $0x800  }
0x90: {  	[sflag:s11] =	ssyncset.done $0x0  }
0x91: {  	s20 =	sadd.s32 $0x1C00, s18;
	[sflag:s11] =	ssyncadd.s32 $0xFFFFF800  }
0x92: {  	[spmem:s2] =	stream.indirect.scatter.add.f32 [tilespmem:s3], [sflag:$0x3], $0x10, s20, s0, $0xb8;
	[tilespmem:$0x1E770] =	vst v63  }
0x93: {  	_ =	swait.ge [sflag:s30], $0x800  }
0x94: {  	[sflag:s30] =	ssyncset.done $0x0  }
0x95: {  	s21 =	sadd.s32 $0x100, s18;
	[sflag:s30] =	ssyncadd.s32 $0xFFFFF800  }
0x96: {  	[tilespmem:s3], [sflag:$0x1] =	stream.indirect.gather [hbm4b:s7+s0], $0x10, s21, s0, $0xb8;
	[tilespmem:$0x1E770] =	vst v63  }
0x97: {  	_ =	swait.ge [sflag:s12], $0x800  }
0x98: {  	[sflag:s12] =	ssyncset.done $0x0  }
0x99: {  	s22 =	sadd.s32 $0x1C80, s18;
	[sflag:s12] =	ssyncadd.s32 $0xFFFFF800  }
0x9a: {  	[spmem:s2] =	stream.indirect.scatter.add.f32 [tilespmem:s1], [sflag:$0x3], $0x10, s22, s0, $0xb8;
	[tilespmem:$0x1E770] =	vst v63  }
0x9b: {  	_ =	swait.ge [sflag:s30], $0x800  }
0x9c: {  	[sflag:s30] =	ssyncset.done $0x0  }
0x9d: {  	[sflag:s30] =	ssyncadd.s32 $0xFFFFF800  }
0x9e: {  	[tilespmem:s1], [sflag:$0x2] =	stream.indirect.gather [hbm4b:s7+s0], $0x10, s13, s0, $0xb8;
	[tilespmem:$0x1E770] =	vst v63  }
0x9f: {  	_ =	swait.ge [sflag:s11], $0x800  }
0xa0: {  	[sflag:s11] =	ssyncset.done $0x0  }
0xa1: {  	[sflag:s11] =	ssyncadd.s32 $0xFFFFF800  }
0xa2: {  	[spmem:s2] =	stream.indirect.scatter.add.f32 [tilespmem:s3], [sflag:$0x3], $0x10, s14, s0, $0xb8;
	[tilespmem:$0x1E770] =	vst v63  }
0xa3: {  	_ =	swait.ge [sflag:s30], $0x800  }
0xa4: {  	[sflag:s30] =	ssyncset.done $0x0  }
0xa5: {  	[sflag:s30] =	ssyncadd.s32 $0xFFFFF800  }
0xa6: {  	[tilespmem:s3], [sflag:$0x1] =	stream.indirect.gather [hbm4b:s7+s0], $0x10, s13, s0, $0xb8;
	[tilespmem:$0x1E770] =	vst v63  }
0xa7: {  	_ =	swait.ge [sflag:s12], $0x800  }
0xa8: {  	[sflag:s12] =	ssyncset.done $0x0  }
0xa9: {  	s17 =	sadd.s32 $0x1, s17;
	[sflag:s12] =	ssyncadd.s32 $0xFFFFF800  }
0xaa: {  	[spmem:s2] =	stream.indirect.scatter.add.f32 [tilespmem:s1], [sflag:$0x3], $0x10, s15, s0, $0xb8;
	[tilespmem:$0x1E770] =	vst v63  }
0xab: {  	p0 =	sne.s32 s17, $0xE;
	_ =	swait.ge [sflag:s30], $0x800  }
.Ltmp1:
0xac: {  	[sflag:s30] =	ssyncset.done $0x0;
	(pc) =	sbr.rel @p0 .LBB2_2-.Ltmp1, $4  }
0xad: {  	[sflag:s30] =	ssyncadd.s32 $0xFFFFF800  }
0xae: {  	_ =	swait.ge [sflag:s11], $0x800  }
0xaf: {  	[sflag:s11] =	ssyncset.done $0x0  }
0xb0: {  	[sflag:s11] =	ssyncadd.s32 $0xFFFFF800  }
0xb1: {  	[bflag:$0x0] =	sbarrier.arrive $0xFFFF  }
0xb2: {  	[tilespmem:s29], [sflag:$0x3] =	stream.linear.gather [spmem:s9], $0x1870, $0x38;
	[tilespmem:$0x1E770] =	vst v63  }
0xb3: {  	_ =	swait.ge [sflag:s30], $0x1870  }
0xb4: {  	[sflag:s30] =	ssyncset.done $0x0  }
0xb5: {  	s17 =	sadd.s32 $0x0, s25;
	[sflag:s30] =	ssyncadd.s32 $0xFFFFE790  }
0xb6: {  	[hbm4b:s17+s4] =	stream.linear.scatter [tilespmem:s29], [sflag:$0x3], $0x1870, $0x38;
	[tilespmem:$0x1E770] =	vst v63  }
0xb7: {  	_ =	swait.ge [sflag:s30], $0x1870  }
0xb8: {  	s18 =	smov.u32 s9;
	s17 =	simm.s32 $0x30E;
	[sflag:s30] =	ssyncset.done $0x0  }
.LBB2_6:
0xb9: {  	p0 =	sne.s32 s17, $0x2DD2;
	[sflag:s30] =	ssyncadd.s32 $0xFFFFE790;
	s18 =	sadd.s32 $0x1870, s18  }
0xba: {  	[tilespmem:s29], [sflag:$0x3] =	stream.linear.gather [spmem:s18], $0x1870, $0x38;
	[tilespmem:$0x1E770] =	vst v63  }
0xbb: {  	s19 =	smov.u32 s17;
	s17 =	sadd.s32 $0x30E, s17;
	_ =	swait.ge [sflag:s30], $0x1870  }
.Ltmp2:
0xbc: {  	[sflag:s30] =	ssyncset.done $0x0;
	(pc) =	sbr.rel @p0 .LBB2_6-.Ltmp2, $4  }
0xbd: {  	s19 =	sadd.s32 s19, s25;
	[sflag:s30] =	ssyncadd.s32 $0xFFFFE790  }
0xbe: {  	[hbm4b:s19+s4] =	stream.linear.scatter [tilespmem:s29], [sflag:$0x3], $0x1870, $0x38;
	[tilespmem:$0x1E770] =	vst v63  }
0xbf: {  	_ =	swait.ge [sflag:s30], $0x1870  }
0xc0: {  	[sflag:s30] =	ssyncset.done $0x0  }
0xc1: {  	s16 =	sadd.s32 $0x1, s16;
	s17 =	rddreg [dreg:$0x4]  }
0xc2: {  	p0 =	sne.s32 s16, s17  }
.Ltmp3:
0xc3: {  	_ = 	snop;
	(pc) =	sbr.rel @p0 .LBB2_1-.Ltmp3, $2  }
0xc4: {  	_ =	sdelay $0x2  }
0xc5: {  	[sflag:s30] =	ssyncadd.s32 $0xFFFFE790  }
0xc6: {  	_ =	sfence.sel $0x180000  }
0xc7: {  	[bflag:$0x0] =	sbarrier.arrive $0xFFFF  }
0xc8: {  	_ =	strace $0x9000004D  }
0xc9: {  	s0 =	stileid.u32;
	[bflag:$0x2] =	sbarrier.arrive $0xFFFF  }
0xca: {  	p0 =	sne.s32 s0, $0x0;
	s0 =	rddreg [dreg:$0x3]  }
0xcb: {  	s0 =	sadd.s32 @!p0 $0x100000, s0  }
0xcc: {  	[sflag:s0] =	ssyncadd.tile.s32 @!p0 $0x1;
	_ =	shalt  }
.Lfunc_end2:
_tile_overlayer_lowered:
.L_overlay_start_2:
0xcd: {  	(tag) =	ssettag $0x2  }
0xce: {  	s0 =	rddreg [dreg:$0x0];
	s2 =	stileid.u32  }
0xcf: {  	s1 =	rddreg [dreg:$0x1];
	p0 =	sne.s32 s2, $0x0  }
0xd0: {  	s3 =	rddreg [dreg:$0x2];
	[bflag:$0x3] =	sbarrier.arrive $0xFFFF;
	s2 =	simm.s32 @!p0 $0x1C03  }
0xd1: {  	[timem:s3], [sflag:s2] =	dma.local @!p0 [hbm:s0], s1  }
0xd2: {  	s0 =	simm.s32 @!p0 $0x3  }
0xd3: {  	_ =	swait.ge @!p0 [sflag:s0], s1  }
0xd4: {  	s1 =	ssub.s32 @!p0 $0x0, s1;
	[sflag:s0] =	ssyncset.done @!p0 $0x0  }
0xd5: {  	[sflag:s0] =	ssyncadd.s32 @!p0 s1  }
0xd6: {  	[bflag:$0x3] =	sbarrier.arrive $0xFFFF  }
0xd7: {  	_ =	shalt  }

// kernel: kernel.8.cloned.1.call-start
scs
__scs_entry_jumppad:
0x0: {  	(pc) =	sbr.rel $0x88, $3  }
0x1: {  	(tag) =	ssettag $0x0;
	lr =	simm.s32 $0x1  }
0x2: {  	[smem:$0x3F97] =	sst lr;
	_ =	strace $0xD0000000  }
0x3: {  	_ = 	snop  }
0x4: {  	_ = 	snop  }
0x5: {  	_ = 	snop  }
0x6: {  	_ = 	snop  }
0x7: {  	_ = 	snop  }
__scs_overlays_trampoline_lowered:
0x8: {  	[smem:$0x3FA6] =	sst s0  }
0x9: {  	[smem:$0x3FA7] =	sst s1  }
0xa: {  	[smem:$0x3FA8] =	sst s2  }
0xb: {  	[smem:$0x3FA9] =	sst s3  }
0xc: {  	[smem:$0x3FAA] =	sst s4  }
0xd: {  	[smem:$0x3FAB] =	sst s5  }
0xe: {  	[smem:$0x3FAC] =	sst s6  }
0xf: {  	[smem:$0x3FAD] =	sst s7  }
0x10: {  	[smem:$0x3FAE] =	sst s8  }
0x11: {  	[smem:$0x3FAF] =	sst s9;
	s0 =	simm.s32 @!p0 $0x0  }
0x12: {  	s1 =	sld [smem:$0x3F95];
	s0 =	simm.s32 @p0 $0x1  }
0x13: {  	[smem:$0x3FB0] =	sst s0;
	s0 =	simm.s32 @!p1 $0x0  }
0x14: {  	s2 =	sld [smem:$0x3F94];
	s0 =	simm.s32 @p1 $0x1  }
0x15: {  	[smem:$0x3FB1] =	sst s0;
	s0 =	simm.s32 @!p2 $0x0  }
0x16: {  	s3 =	sld [smem:$0x3FDB];
	s0 =	simm.s32 @p2 $0x1  }
0x17: {  	s4 =	simm.s32 $0x1BF5;
	[smem:$0x3FB3] =	sst s0  }
0x18: {  	s0 =	sld [smem:$0x3F96];
	_ =	swait.ge [sflag:s4], $0x0  }
0x19: {  	s7 =	sld [smem:$0x3F97]  }
0x1a: {  	s8 =	sadd.s32 $0xFFFFE003, lr  }
0x1b: {  	s9 =	sadd.s32 $0xFFFFFEF7, lr;
	s5 =	simm.s32 $0xFFFFFFFF;
	p2 =	slt.u32 s8, $0xFFFFF086  }
0x1c: {  	p1 =	slt.u32 s9, $0xF7A;
	s5 =	simm.s32 @!p2 $0x0  }
0x1d: {  	s5 =	simm.s32 @p1 $0x1;
	p0 =	seq.s32 s7, s2  }
0x1e: {  	s7 =	smul.u32 @!p0 $0xF7A, s2;
	p2 =	seq.s32 @!p0 s5, $0x0  }
0x1f: {  	s9 =	smul.u32 $0xF7A, s1;
	s8 =	simm.s32 @!p0 $0x1BF5;
	p2 =	por !p2, p0  }
0x20: {  	[sflag:s8] =	ssyncset.s32 @!p0 $0xFFFFF086;
	s6 =	sadd.s32 @!p0 s3, s7;
	s7 =	simm.s32 @!p0 $0x108  }
0x21: {  	s3 =	sadd.s32 s3, s9;
	s6 =	sadd.s32 @!p0 $0x88, s6;
	s7 =	simm.s32 @p2 $0x1082  }
0x22: {  	[simem:s7], [sflag:s8] =	dma.local @!p0 [hbm:s6], $0xF7A  }
0x23: {  	s9 =	sor.u32 $0xD0000000, s2;
	s6 =	simm.s32 $0x108;
	_ =	swait.ge @!p0 [sflag:s8], $0x0  }
0x24: {  	s3 =	sadd.s32 $0x88, s3;
	s6 =	simm.s32 @!p1 $0x1082;
	[sflag:s4] =	ssyncset.s32 $0xFFFFF086  }
0x25: {  	[simem:s6], [sflag:s4] =	dma.local [hbm:s3], $0xF7A  }
0x26: {  	[smem:$0x3F97] =	sst s1;
	(tag) =	ssettag s2;
	_ =	strace s9  }
0x27: {  	s1 =	sld [smem:$0x3FA7]  }
0x28: {  	s2 =	sld [smem:$0x3FA8]  }
0x29: {  	s4 =	sld [smem:$0x3FAA]  }
0x2a: {  	p0 =	seq.s32 s5, $0x0;
	s5 =	sld [smem:$0x3FAB]  }
0x2b: {  	s6 =	sld [smem:$0x3FAC]  }
0x2c: {  	s7 =	sld [smem:$0x3FAD]  }
0x2d: {  	s3 =	simm.s32 $0x108;
	s8 =	sld [smem:$0x3FAE]  }
0x2e: {  	s3 =	simm.s32 @!p0 $0x1082;
	s9 =	sld [smem:$0x3FAF]  }
0x2f: {  	lr =	sadd.s32 s0, s3;
	s0 =	sld [smem:$0x3FA6]  }
0x30: {  	s3 =	sld [smem:$0x3FA9]  }
0x31: {  	[smem:$0x3FB2] =	sst s10  }
0x32: {  	s10 =	sld [smem:$0x3FB0];
	_ =	sdelay $0x3  }
0x33: {  	p0 =	seq.s32 s10, $0x1;
	s10 =	sld [smem:$0x3FB2];
	_ =	sdelay $0x3  }
0x34: {  	[smem:$0x3FB2] =	sst s10  }
0x35: {  	s10 =	sld [smem:$0x3FB1];
	_ =	sdelay $0x3  }
0x36: {  	p1 =	seq.s32 s10, $0x1;
	s10 =	sld [smem:$0x3FB2];
	_ =	sdelay $0x3  }
0x37: {  	[smem:$0x3FB2] =	sst s10  }
0x38: {  	s10 =	sld [smem:$0x3FB3]  }
0x39: {  	_ = 	snop;
	(pc) =	sbr.ind lr, $3  }
0x3a: {  	_ = 	snop  }
0x3b: {  	_ = 	snop  }
0x3c: {  	p2 =	seq.s32 s10, $0x1;
	s10 =	sld [smem:$0x3FB2]  }
0x3d: {  	_ =	shalt  }
0x3e: {  	_ =	shalt  }
0x3f: {  	_ =	shalt  }
0x40: {  	_ =	shalt  }
0x41: {  	_ =	shalt  }
0x42: {  	_ =	shalt  }
0x43: {  	_ =	shalt  }
0x44: {  	_ =	shalt  }
0x45: {  	_ =	shalt  }
0x46: {  	_ =	shalt  }
0x47: {  	_ =	shalt  }
0x48: {  	_ =	shalt  }
0x49: {  	_ =	shalt  }
0x4a: {  	_ =	shalt  }
0x4b: {  	_ =	shalt  }
0x4c: {  	_ =	shalt  }
0x4d: {  	_ =	shalt  }
0x4e: {  	_ =	shalt  }
0x4f: {  	_ =	shalt  }
0x50: {  	_ =	shalt  }
0x51: {  	_ =	shalt  }
0x52: {  	_ =	shalt  }
0x53: {  	_ =	shalt  }
0x54: {  	_ =	shalt  }
0x55: {  	_ =	shalt  }
0x56: {  	_ =	shalt  }
0x57: {  	_ =	shalt  }
0x58: {  	_ =	shalt  }
0x59: {  	_ =	shalt  }
0x5a: {  	_ =	shalt  }
0x5b: {  	_ =	shalt  }
0x5c: {  	_ =	shalt  }
0x5d: {  	_ =	shalt  }
0x5e: {  	_ =	shalt  }
0x5f: {  	_ =	shalt  }
0x60: {  	_ =	shalt  }
0x61: {  	_ =	shalt  }
0x62: {  	_ =	shalt  }
0x63: {  	_ =	shalt  }
0x64: {  	_ =	shalt  }
0x65: {  	_ =	shalt  }
0x66: {  	_ =	shalt  }
0x67: {  	_ =	shalt  }
0x68: {  	_ =	shalt  }
0x69: {  	_ =	shalt  }
0x6a: {  	_ =	shalt  }
0x6b: {  	_ =	shalt  }
0x6c: {  	_ =	shalt  }
0x6d: {  	_ =	shalt  }
0x6e: {  	_ =	shalt  }
0x6f: {  	_ =	shalt  }
0x70: {  	_ =	shalt  }
0x71: {  	_ =	shalt  }
0x72: {  	_ =	shalt  }
0x73: {  	_ =	shalt  }
0x74: {  	_ =	shalt  }
0x75: {  	_ =	shalt  }
0x76: {  	_ =	shalt  }
0x77: {  	_ =	shalt  }
0x78: {  	_ =	shalt  }
0x79: {  	_ =	shalt  }
0x7a: {  	_ =	shalt  }
0x7b: {  	_ =	shalt  }
0x7c: {  	_ =	shalt  }
0x7d: {  	_ =	shalt  }
0x7e: {  	_ =	shalt  }
0x7f: {  	_ =	shalt  }
0x80: {  	_ =	shalt  }
0x81: {  	_ =	shalt  }
0x82: {  	_ =	shalt  }
0x83: {  	_ =	shalt  }
0x84: {  	_ =	shalt  }
0x85: {  	_ =	shalt  }
0x86: {  	_ =	shalt  }
0x87: {  	_ =	shalt  }
.Lfunc_end0:
.L_simem_size_0:
called_computation_lowered:
.L_overlay_start_0:
0x88: {  	s2 =	sld [smem:$0x3FD9]  }
0x89: {  	s3 =	sld [smem:$0x3FFE];
	_ =	sdelay $0x1  }
0x8a: {  	s1 =	srdreg.scid  }
0x8b: {  	s0 =	sand.u32 $0x1, s1  }
0x8c: {  	s17 =	sshll.u32 s0, $0xA;
	s2 =	sadd.s32 s3, s2  }
0x8d: {  	s2 =	sadd.s32 s2, s17  }
0x8e: {  	[smem:$0x3FBE] =	sst s2  }
0x8f: {  	_ = 	snop  }
0x90: {  	s2 =	sld [smem:$0x3FD0];
	(tm) =	ssettm $0x1  }
0x91: {  	s18 =	sld [smem:$0x3FFB];
	_ =	sdelay $0x3  }
0x92: {  	_ =	strace s18  }
0x93: {  	s3 =	sld [smem:$0x3FFC];
	_ =	sdelay $0x3  }
0x94: {  	_ =	strace s3  }
0x95: {  	s3 =	sld [smem:$0x3FFD];
	_ =	sdelay $0x3  }
0x96: {  	_ =	strace s3  }
0x97: {  	_ =	strace $0x8FFFFFFF  }
0x98: {  	s19 =	sld [smem:$0x3FDB];
	_ =	sdelay $0x1  }
0x99: {  	s4 =	simm.s32 $_scs_section_size  }
0x9a: {  	s5 =	simm.s32 $_size__tile_overlayer_lowered;
	s6 =	simm.s32 $_tile_overlayer_lowered  }
0x9b: {  	s22 =	simm.s32 $0x1BFF;
	s21 =	sshll.u32 s6, $0x1;
	s3 =	sadd.s32 s4, s19  }
0x9c: {  	s7 =	simm.s32 $0x0;
	s20 =	sshll.u32 s5, $0x1;
	s5 =	sadd.s32 s21, s3  }
0x9d: {  	[timem:s7], [sflag:s22] =	dma.local [hbm:s5], s20  }
0x9e: {  	_ =	swait.ge [sflag:s22], s20  }
0x9f: {  	s4 =	ssub.s32 $0x0, s20;
	[sflag:s22] =	ssyncset.done $0x0  }
0xa0: {  	[sflag:s22] =	ssyncadd.s32 s4;
	_ =	sdelay $0x1  }
0xa1: {  	s23 =	simm.s32 $0x1B8B  }
0xa2: {  	_ =	swait.ge [sflag:s23], $0x1  }
0xa3: {  	[sflag:s23] =	ssyncset.done $0x0  }
0xa4: {  	s25 =	simm.s32 $0x1B8E;
	s24 =	sld [smem:$0x3FFE];
	[sflag:s23] =	ssyncadd.s32 $0xFFFFFFFF  }
0xa5: {  	s26 =	simm.s32 $execute0_lowered;
	[smem:$0x3FD2] =	sst s25  }
0xa6: {  	s5 =	sshll.u32 s26, $0x1;
	_ =	strace $0x80000046;
	[dreg:$0x1] =	wrdreg $0xFFFFFFFF  }
0xa7: {  	s28 =	simm.s32 $_size_execute0_lowered;
	s3 =	sadd.s32 s3, s5;
	[dreg:$0x0] =	wrdreg $0x0  }
0xa8: {  	s5 =	sshll.u32 s28, $0x1;
	[dreg:$0x2] =	wrdreg s3  }
0xa9: {  	[dreg:$0x3] =	wrdreg s5  }
0xaa: {  	[dreg:$0x4] =	wrdreg $0xC0  }
0xab: {  	_ =	task [dreg:s7], $0x5FFFF  }
0xac: {  	[dreg:$0x1] =	wrdreg $0xFFFFFFFF  }
0xad: {  	[dreg:$0x0] =	wrdreg $0x60  }
0xae: {  	[dreg:$0x2] =	wrdreg s24  }
0xaf: {  	[dreg:$0x3] =	wrdreg s2  }
0xb0: {  	[dreg:$0x4] =	wrdreg $0x28B80  }
0xb1: {  	[dreg:$0x5] =	wrdreg $0x9  }
0xb2: {  	_ =	task.clear_ibuf [dreg:s7], $0x6FFFF;
	_ =	strace $0x90000046  }
0xb3: {  	s29 =	simm.s32 $0x9;
	_ =	strace $0x80000048  }
0xb4: {  	_ =	swait.ge [sflag:s29], $0x1  }
0xb5: {  	[sflag:s29] =	ssyncadd.s32 $0xFFFFFFFF  }
0xb6: {  	_ =	strace $0x90000048  }
0xb7: {  	_ =	sfence  }
0xb8: {  	s30 =	sld [smem:$0x0];
	_ =	sdelay $0x2  }
0xb9: {  	s31 =	sshll.u32 s1, $0xD;
	s1 =	sshrl.u32 s1, $0x2  }
0xba: {  	s3 =	sand.u32 $0x4000, s31;
	s1 =	sadd.s32 s1, s30  }
0xbb: {  	s0 =	sor.u32 s3, s0;
	s1 =	sshll.u32 s1, $0x11  }
0xbc: {  	s0 =	sor.u32 s1, s0  }
0xbd: {  	s0 =	sadd.s32 $0x8F2B, s0  }
0xbe: {  	[sflag:s0] =	ssyncadd.remote.s32 $0x1  }
0xbf: {  	_ =	sfence.sel $0xFFFF  }
0xc0: {  	[dreg:$0x0] =	wrdreg $0xFFFFFFFF;
	(pc) =	sbr.abs _section_cstart, $3  }
0xc1: {  	[dreg:$0x1] =	wrdreg $0xFFFFFFFF  }
0xc2: {  	_ =	task.clear_ibuf [dreg:s7], $0x2FFFF;
	_ =	strace $0x9FFFFFFF  }
0xc3: {  	(tm) =	ssettm $0x7FFFFFFF  }
tec
execute0_lowered:
.L_overlay_start_1:
0x0: {  	(tag) =	ssettag $0x1  }
0x1: {  	s5 =	rddreg [dreg:$0x0]  }
0x2: {  	s2 =	rddreg [dreg:$0x1]  }
0x3: {  	s0 =	srdreg.scid;
	s3 =	rddreg [dreg:$0x2]  }
0x4: {  	s1 =	stileid.u32;
	s4 =	simm.s32 $0x0;
	s17 =	simm.s32 $0x1C80  }
0x5: {  	s18 =	simm.s32 $0x1;
	s19 =	simm.s32 $0x80;
	s20 =	simm.s32 $0x1C00  }
0x6: {  	s6 =	sand.u32 $0x1, s0;
	s0 =	rddreg [dreg:$0x3];
	s8 =	smul.u32 $0x188, s1  }
0x7: {  	s21 =	simm.s32 $0x0;
	[smem:$0x7FF] =	sst s4;
	s9 =	smul.u32 $0x1870, s1  }
0x8: {  	s10 =	sadd.s32 $0x32600, s5;
	s7 =	smul.u32 $0x1880, s6;
	s24 =	ssub.s32 $0x2, s6  }
0x9: {  	_ =	strace $0x80000047;
	s6 =	smul.u32 $0x18700, s6;
	s25 =	sshrl.u32 s24, $0x1  }
0xa: {  	s26 =	sadd.s32 $0xC38, s9;
	s7 =	sadd.s32 s8, s7;
	s11 =	ssub.s32 s24, s25  }
0xb: {  	s28 =	sadd.s32 s9, s6;
	s29 =	sadd.s32 s6, s26;
	s6 =	sadd.s32 s26, s3  }
0xc: {  	s7 =	sshll.u32 s7, $0x4;
	s30 =	sshrl.u32 s28, $0x3;
	s31 =	sshrl.u32 s29, $0x3  }
0xd: {  	s16 =	sadd.s32 s7, s5;
	s5 =	sadd.s32 s9, s3;
	s7 =	sadd.s32 s10, s30  }
0xe: {  	s8 =	sadd.s32 s10, s31;
	s9 =	smax.u32 s11, $0x1;
	s10 =	sadd.s32 $0x1600, s16  }
0xf: {  	s11 =	sadd.s32 $0x1980, s16;
	s12 =	sadd.s32 $0x1D00, s16;
	s13 =	sadd.s32 $0x2080, s16  }
0x10: {  	v0 =	vimm.f32 $1.000000000e+00;
	s14 =	sadd.s32 $0x2400, s16;
	s15 =	sadd.s32 $0x2780, s16;
	s16 =	sadd.s32 $0x2B00, s16  }
.LBB2_1:
0x11: {  	[tilespmem:s17], [sflag:$0x1] =	stream.linear.gather [hbm4b:s2+s4], $0xC38, $0x38;
	[tilespmem:$0x4128] =	vst v63  }
0x12: {  	_ =	swait.ge [sflag:s18], $0xC38  }
0x13: {  	[sflag:s18] =	ssyncset.done $0x0  }
0x14: {  	[sflag:s18] =	ssyncadd.s32 $0xFFFFF3C8  }
0x15: {  	[spmem:s5] =	stream.linear.scatter [tilespmem:s17], [sflag:$0x1], $0xC38, $0x38;
	[tilespmem:$0x4128] =	vst v63  }
0x16: {  	_ =	swait.ge [sflag:s18], $0xC38  }
0x17: {  	[sflag:s18] =	ssyncset.done $0x0  }
0x18: {  	[sflag:s18] =	ssyncadd.s32 $0xFFFFF3C8  }
0x19: {  	[spmem:s6] =	stream.linear.scatter [tilespmem:s17], [sflag:$0x1], $0xC38, $0x38;
	[tilespmem:$0x4128] =	vst v63  }
0x1a: {  	_ =	swait.ge [sflag:s18], $0xC38  }
0x1b: {  	[sflag:s18] =	ssyncset.done $0x0  }
0x1c: {  	[sflag:s18] =	ssyncadd.s32 $0xFFFFF3C8  }
0x1d: {  	[tilespmem:$0x1C00] =	vst v0  }
0x1e: {  	[tilespmem:$0x1C10] =	vst v0  }
0x1f: {  	[tilespmem:$0x1C20] =	vst v0  }
0x20: {  	[tilespmem:$0x1C30] =	vst v0  }
0x21: {  	[tilespmem:$0x1C40] =	vst v0  }
0x22: {  	[tilespmem:$0x1C50] =	vst v0  }
0x23: {  	[tilespmem:$0x1C60] =	vst v0  }
0x24: {  	[tilespmem:$0x1C70] =	vst v0  }
0x25: {  	[bflag:$0x0] =	sbarrier.arrive $0xFFFF  }
0x26: {  	[tilespmem:s4], [sflag:$0x1] =	stream.linear.gather [hbm4b:s10+s4], $0x1C00, $0x38;
	[tilespmem:$0x4128] =	vst v63  }
0x27: {  	_ =	swait.ge [sflag:s18], $0x1C00  }
0x28: {  	[sflag:s18] =	ssyncset.done $0x0  }
0x29: {  	s22 =	simm.s32 $0x0;
	[sflag:s18] =	ssyncadd.s32 $0xFFFFE400  }
0x2a: {  	[spmem:s3] =	stream.indirect.scatter.add.f32 [tilespmem:s20], [sflag:$0x1], $0x1, s22, s19, $0xb8;
	[tilespmem:$0x4128] =	vst v63  }
0x2b: {  	_ =	swait.ge [sflag:s18], $0x80  }
0x2c: {  	s22 =	simm.s32 $0x200;
	[sflag:s18] =	ssyncset.done $0x0  }
.LBB2_2:
0x2d: {  	s23 =	sshra.s32 s22, $0x2;
	[sflag:s18] =	ssyncadd.s32 $0xFFFFFF80;
	p0 =	sne.s32 s22, $0x6E00  }
0x2e: {  	[spmem:s3] =	stream.indirect.scatter.add.f32 [tilespmem:s20], [sflag:$0x1], $0x1, s23, s19, $0xb8;
	[tilespmem:$0x4128] =	vst v63  }
.Ltmp0:
0x2f: {  	_ = 	snop;
	(pc) =	sbr.rel @p0 .LBB2_2-.Ltmp0, $4  }
0x30: {  	_ = 	snop  }
0x31: {  	s22 =	sadd.s32 $0x200, s22  }
0x32: {  	_ =	swait.ge [sflag:s18], $0x80  }
0x33: {  	[sflag:s18] =	ssyncset.done $0x0  }
0x34: {  	[sflag:s18] =	ssyncadd.s32 $0xFFFFFF80;
	s22 =	simm.s32 $0x0  }
0x35: {  	[tilespmem:s22], [sflag:$0x1] =	stream.linear.gather [hbm4b:s11+s22], $0x1C00, $0x38;
	[tilespmem:$0x4128] =	vst v63  }
0x36: {  	_ =	swait.ge [sflag:s18], $0x1C00  }
0x37: {  	[sflag:s18] =	ssyncset.done $0x0  }
0x38: {  	s31 =	simm.s32 $0x0;
	[sflag:s18] =	ssyncadd.s32 $0xFFFFE400  }
0x39: {  	[spmem:s3] =	stream.indirect.scatter.add.f32 [tilespmem:s20], [sflag:$0x1], $0x1, s31, s19, $0xb8;
	[tilespmem:$0x4128] =	vst v63  }
0x3a: {  	_ =	swait.ge [sflag:s18], $0x80  }
0x3b: {  	s22 =	simm.s32 $0x200;
	[sflag:s18] =	ssyncset.done $0x0  }
.LBB2_4:
0x3c: {  	s23 =	sshra.s32 s22, $0x2;
	[sflag:s18] =	ssyncadd.s32 $0xFFFFFF80;
	p0 =	sne.s32 s22, $0x6E00  }
0x3d: {  	[spmem:s3] =	stream.indirect.scatter.add.f32 [tilespmem:s20], [sflag:$0x1], $0x1, s23, s19, $0xb8;
	[tilespmem:$0x4128] =	vst v63  }
.Ltmp1:
0x3e: {  	_ = 	snop;
	(pc) =	sbr.rel @p0 .LBB2_4-.Ltmp1, $4  }
0x3f: {  	_ = 	snop  }
0x40: {  	s22 =	sadd.s32 $0x200, s22  }
0x41: {  	_ =	swait.ge [sflag:s18], $0x80  }
0x42: {  	[sflag:s18] =	ssyncset.done $0x0  }
0x43: {  	[sflag:s18] =	ssyncadd.s32 $0xFFFFFF80;
	s22 =	simm.s32 $0x0  }
0x44: {  	[tilespmem:s22], [sflag:$0x1] =	stream.linear.gather [hbm4b:s12+s22], $0x1C00, $0x38;
	[tilespmem:$0x4128] =	vst v63  }
0x45: {  	_ =	swait.ge [sflag:s18], $0x1C00  }
0x46: {  	[sflag:s18] =	ssyncset.done $0x0  }
0x47: {  	s31 =	simm.s32 $0x0;
	[sflag:s18] =	ssyncadd.s32 $0xFFFFE400  }
0x48: {  	[spmem:s3] =	stream.indirect.scatter.add.f32 [tilespmem:s20], [sflag:$0x1], $0x1, s31, s19, $0xb8;
	[tilespmem:$0x4128] =	vst v63  }
0x49: {  	_ =	swait.ge [sflag:s18], $0x80  }
0x4a: {  	s22 =	simm.s32 $0x200;
	[sflag:s18] =	ssyncset.done $0x0  }
.LBB2_6:
0x4b: {  	s23 =	sshra.s32 s22, $0x2;
	[sflag:s18] =	ssyncadd.s32 $0xFFFFFF80;
	p0 =	sne.s32 s22, $0x6E00  }
0x4c: {  	[spmem:s3] =	stream.indirect.scatter.add.f32 [tilespmem:s20], [sflag:$0x1], $0x1, s23, s19, $0xb8;
	[tilespmem:$0x4128] =	vst v63  }
.Ltmp2:
0x4d: {  	_ = 	snop;
	(pc) =	sbr.rel @p0 .LBB2_6-.Ltmp2, $4  }
0x4e: {  	_ = 	snop  }
0x4f: {  	s22 =	sadd.s32 $0x200, s22  }
0x50: {  	_ =	swait.ge [sflag:s18], $0x80  }
0x51: {  	[sflag:s18] =	ssyncset.done $0x0  }
0x52: {  	[sflag:s18] =	ssyncadd.s32 $0xFFFFFF80;
	s22 =	simm.s32 $0x0  }
0x53: {  	[tilespmem:s22], [sflag:$0x1] =	stream.linear.gather [hbm4b:s13+s22], $0x1C00, $0x38;
	[tilespmem:$0x4128] =	vst v63  }
0x54: {  	_ =	swait.ge [sflag:s18], $0x1C00  }
0x55: {  	[sflag:s18] =	ssyncset.done $0x0  }
0x56: {  	s31 =	simm.s32 $0x0;
	[sflag:s18] =	ssyncadd.s32 $0xFFFFE400  }
0x57: {  	[spmem:s3] =	stream.indirect.scatter.add.f32 [tilespmem:s20], [sflag:$0x1], $0x1, s31, s19, $0xb8;
	[tilespmem:$0x4128] =	vst v63  }
0x58: {  	_ =	swait.ge [sflag:s18], $0x80  }
0x59: {  	s22 =	simm.s32 $0x200;
	[sflag:s18] =	ssyncset.done $0x0  }
.LBB2_8:
0x5a: {  	s23 =	sshra.s32 s22, $0x2;
	[sflag:s18] =	ssyncadd.s32 $0xFFFFFF80;
	p0 =	sne.s32 s22, $0x6E00  }
0x5b: {  	[spmem:s3] =	stream.indirect.scatter.add.f32 [tilespmem:s20], [sflag:$0x1], $0x1, s23, s19, $0xb8;
	[tilespmem:$0x4128] =	vst v63  }
.Ltmp3:
0x5c: {  	_ = 	snop;
	(pc) =	sbr.rel @p0 .LBB2_8-.Ltmp3, $4  }
0x5d: {  	_ = 	snop  }
0x5e: {  	s22 =	sadd.s32 $0x200, s22  }
0x5f: {  	_ =	swait.ge [sflag:s18], $0x80  }
0x60: {  	[sflag:s18] =	ssyncset.done $0x0  }
0x61: {  	[sflag:s18] =	ssyncadd.s32 $0xFFFFFF80;
	s22 =	simm.s32 $0x0  }
0x62: {  	[tilespmem:s22], [sflag:$0x1] =	stream.linear.gather [hbm4b:s14+s22], $0x1C00, $0x38;
	[tilespmem:$0x4128] =	vst v63  }
0x63: {  	_ =	swait.ge [sflag:s18], $0x1C00  }
0x64: {  	[sflag:s18] =	ssyncset.done $0x0  }
0x65: {  	s31 =	simm.s32 $0x0;
	[sflag:s18] =	ssyncadd.s32 $0xFFFFE400  }
0x66: {  	[spmem:s3] =	stream.indirect.scatter.add.f32 [tilespmem:s20], [sflag:$0x1], $0x1, s31, s19, $0xb8;
	[tilespmem:$0x4128] =	vst v63  }
0x67: {  	_ =	swait.ge [sflag:s18], $0x80  }
0x68: {  	s22 =	simm.s32 $0x200;
	[sflag:s18] =	ssyncset.done $0x0  }
.LBB2_10:
0x69: {  	s23 =	sshra.s32 s22, $0x2;
	[sflag:s18] =	ssyncadd.s32 $0xFFFFFF80;
	p0 =	sne.s32 s22, $0x6E00  }
0x6a: {  	[spmem:s3] =	stream.indirect.scatter.add.f32 [tilespmem:s20], [sflag:$0x1], $0x1, s23, s19, $0xb8;
	[tilespmem:$0x4128] =	vst v63  }
.Ltmp4:
0x6b: {  	_ = 	snop;
	(pc) =	sbr.rel @p0 .LBB2_10-.Ltmp4, $4  }
0x6c: {  	_ = 	snop  }
0x6d: {  	s22 =	sadd.s32 $0x200, s22  }
0x6e: {  	_ =	swait.ge [sflag:s18], $0x80  }
0x6f: {  	[sflag:s18] =	ssyncset.done $0x0  }
0x70: {  	[sflag:s18] =	ssyncadd.s32 $0xFFFFFF80;
	s22 =	simm.s32 $0x0  }
0x71: {  	[tilespmem:s22], [sflag:$0x1] =	stream.linear.gather [hbm4b:s15+s22], $0x1C00, $0x38;
	[tilespmem:$0x4128] =	vst v63  }
0x72: {  	_ =	swait.ge [sflag:s18], $0x1C00  }
0x73: {  	[sflag:s18] =	ssyncset.done $0x0  }
0x74: {  	s31 =	simm.s32 $0x0;
	[sflag:s18] =	ssyncadd.s32 $0xFFFFE400  }
0x75: {  	[spmem:s3] =	stream.indirect.scatter.add.f32 [tilespmem:s20], [sflag:$0x1], $0x1, s31, s19, $0xb8;
	[tilespmem:$0x4128] =	vst v63  }
0x76: {  	_ =	swait.ge [sflag:s18], $0x80  }
0x77: {  	s22 =	simm.s32 $0x200;
	[sflag:s18] =	ssyncset.done $0x0  }
.LBB2_12:
0x78: {  	s23 =	sshra.s32 s22, $0x2;
	[sflag:s18] =	ssyncadd.s32 $0xFFFFFF80;
	p0 =	sne.s32 s22, $0x6E00  }
0x79: {  	[spmem:s3] =	stream.indirect.scatter.add.f32 [tilespmem:s20], [sflag:$0x1], $0x1, s23, s19, $0xb8;
	[tilespmem:$0x4128] =	vst v63  }
.Ltmp5:
0x7a: {  	_ = 	snop;
	(pc) =	sbr.rel @p0 .LBB2_12-.Ltmp5, $4  }
0x7b: {  	_ = 	snop  }
0x7c: {  	s22 =	sadd.s32 $0x200, s22  }
0x7d: {  	_ =	swait.ge [sflag:s18], $0x80  }
0x7e: {  	[sflag:s18] =	ssyncset.done $0x0  }
0x7f: {  	[sflag:s18] =	ssyncadd.s32 $0xFFFFFF80;
	s22 =	simm.s32 $0x0  }
0x80: {  	[tilespmem:s22], [sflag:$0x1] =	stream.linear.gather [hbm4b:s16+s22], $0x1C00, $0x38;
	[tilespmem:$0x4128] =	vst v63  }
0x81: {  	_ =	swait.ge [sflag:s18], $0x1C00  }
0x82: {  	[sflag:s18] =	ssyncset.done $0x0  }
0x83: {  	s31 =	simm.s32 $0x0;
	[sflag:s18] =	ssyncadd.s32 $0xFFFFE400  }
0x84: {  	[spmem:s3] =	stream.indirect.scatter.add.f32 [tilespmem:s20], [sflag:$0x1], $0x1, s31, s19, $0xb8;
	[tilespmem:$0x4128] =	vst v63  }
0x85: {  	_ =	swait.ge [sflag:s18], $0x80  }
0x86: {  	s22 =	simm.s32 $0x200;
	[sflag:s18] =	ssyncset.done $0x0  }
.LBB2_14:
0x87: {  	s23 =	sshra.s32 s22, $0x2;
	[sflag:s18] =	ssyncadd.s32 $0xFFFFFF80;
	p0 =	sne.s32 s22, $0x6E00  }
0x88: {  	[spmem:s3] =	stream.indirect.scatter.add.f32 [tilespmem:s20], [sflag:$0x1], $0x1, s23, s19, $0xb8;
	[tilespmem:$0x4128] =	vst v63  }
.Ltmp6:
0x89: {  	_ = 	snop;
	(pc) =	sbr.rel @p0 .LBB2_14-.Ltmp6, $4  }
0x8a: {  	_ = 	snop  }
0x8b: {  	s22 =	sadd.s32 $0x200, s22  }
0x8c: {  	_ =	swait.ge [sflag:s18], $0x80  }
0x8d: {  	[sflag:s18] =	ssyncset.done $0x0  }
0x8e: {  	[sflag:s18] =	ssyncadd.s32 $0xFFFFFF80  }
0x8f: {  	[bflag:$0x0] =	sbarrier.arrive $0xFFFF  }
0x90: {  	[tilespmem:s17], [sflag:$0x1] =	stream.linear.gather [spmem:s5], $0xC38, $0x38;
	[tilespmem:$0x4128] =	vst v63  }
0x91: {  	_ =	swait.ge [sflag:s18], $0xC38  }
0x92: {  	[sflag:s18] =	ssyncset.done $0x0  }
0x93: {  	[sflag:s18] =	ssyncadd.s32 $0xFFFFF3C8  }
0x94: {  	[hbm4b:s7+s4] =	stream.linear.scatter [tilespmem:s17], [sflag:$0x1], $0xC38, $0x38;
	[tilespmem:$0x4128] =	vst v63  }
0x95: {  	_ =	swait.ge [sflag:s18], $0xC38  }
0x96: {  	[sflag:s18] =	ssyncset.done $0x0  }
0x97: {  	[sflag:s18] =	ssyncadd.s32 $0xFFFFF3C8  }
0x98: {  	[tilespmem:s17], [sflag:$0x1] =	stream.linear.gather [spmem:s6], $0xC38, $0x38;
	[tilespmem:$0x4128] =	vst v63  }
0x99: {  	s21 =	sadd.s32 $0x1, s21;
	_ =	swait.ge [sflag:s18], $0xC38  }
0x9a: {  	p0 =	sne.s32 s21, s9;
	[sflag:s18] =	ssyncset.done $0x0  }
.Ltmp7:
0x9b: {  	[sflag:s18] =	ssyncadd.s32 $0xFFFFF3C8;
	(pc) =	sbr.rel @p0 .LBB2_1-.Ltmp7, $4  }
0x9c: {  	[hbm4b:s8+s4] =	stream.linear.scatter [tilespmem:s17], [sflag:$0x1], $0xC38, $0x38;
	[tilespmem:$0x4128] =	vst v63  }
0x9d: {  	_ =	swait.ge [sflag:s18], $0xC38  }
0x9e: {  	[sflag:s18] =	ssyncset.done $0x0  }
0x9f: {  	[sflag:s18] =	ssyncadd.s32 $0xFFFFF3C8  }
0xa0: {  	_ =	sfence.sel $0x180000  }
0xa1: {  	[bflag:$0x0] =	sbarrier.arrive $0xFFFF  }
0xa2: {  	p0 =	sne.s32 s1, $0x0;
	_ =	strace $0x90000047  }
0xa3: {  	s0 =	sadd.s32 @!p0 $0x100000, s0;
	[bflag:$0x2] =	sbarrier.arrive $0xFFFF  }
0xa4: {  	[sflag:s0] =	ssyncadd.tile.s32 @!p0 $0x1;
	_ =	shalt  }
.Lfunc_end2:
_tile_overlayer_lowered:
.L_overlay_start_2:
0xa5: {  	(tag) =	ssettag $0x2  }
0xa6: {  	s0 =	rddreg [dreg:$0x0];
	s2 =	stileid.u32  }
0xa7: {  	s1 =	rddreg [dreg:$0x1];
	p0 =	sne.s32 s2, $0x0  }
0xa8: {  	s3 =	rddreg [dreg:$0x2];
	[bflag:$0x3] =	sbarrier.arrive $0xFFFF;
	s2 =	simm.s32 @!p0 $0x1C01  }
0xa9: {  	[timem:s3], [sflag:s2] =	dma.local @!p0 [hbm:s0], s1  }
0xaa: {  	s0 =	simm.s32 @!p0 $0x1  }
0xab: {  	_ =	swait.ge @!p0 [sflag:s0], s1  }
0xac: {  	s1 =	ssub.s32 @!p0 $0x0, s1;
	[sflag:s0] =	ssyncset.done @!p0 $0x0  }
0xad: {  	[sflag:s0] =	ssyncadd.s32 @!p0 s1  }
0xae: {  	[bflag:$0x3] =	sbarrier.arrive $0xFFFF  }
0xaf: {  	_ =	shalt  }

</sc_bundles>
